<compile_context>
chip_gen: v7x
topology: tpu7x:2x2x1
jax: 0.10.2.dev20260603
libtpu: 0.0.44.dev20260713+nightly
codegen_flags: <defaults>
</compile_context>

<pallas_src>
import jax
import jax.numpy as jnp
from jax import lax
from jax.experimental import pallas as pl
from jax.experimental.pallas import tpu as pltpu
from jax.experimental.pallas import tpu_sc as plsc

_VOCAB = 100000
_EMBED = 768
_BATCH = 1024
_SEQ = 500
_HID = 16

_VPAD = 100096
_ROW_BLK = 3128


def _proj_body(table_ref, w1_ref, out_ref):
    i = pl.program_id(0)
    y = lax.dot_general(
        table_ref[...], w1_ref[...],
        (((1,), (0,)), ((), ())),
        preferred_element_type=jnp.float32,
        precision=lax.Precision.DEFAULT,
    )
    row = i * _ROW_BLK + lax.broadcasted_iota(jnp.int32, (_ROW_BLK, 1), 0)
    out_ref[...] = jnp.where(row < _VOCAB, y, 0.0)


def _project(table, w1):
    return pl.pallas_call(
        _proj_body,
        grid=(_VPAD // _ROW_BLK,),
        in_specs=[
            pl.BlockSpec((_ROW_BLK, _EMBED), lambda i: (i, 0)),
            pl.BlockSpec((_EMBED, _HID), lambda i: (0, 0)),
        ],
        out_specs=pl.BlockSpec((_ROW_BLK, _HID), lambda i: (i, 0)),
        out_shape=jax.ShapeDtypeStruct((_VPAD, _HID), jnp.float32),
    )(table, w1)


_NC = 2
_NS = 16
_NW = _NC * _NS
_BPW = _BATCH // _NW
_CHUNK = 128
_SEQP = 512
_NCHUNK = _SEQP // _CHUNK


def _sc_body(idx_hbm, proj_hbm, sums_hbm, idx_v, rows_a, rows_b, sums_v,
             shared_v, sem_a, sem_b):
    sid = lax.axis_index("s")
    wid = sid * _NC + lax.axis_index("c")
    base = wid * _BPW
    stripe = _VPAD // _NS
    soff = pl.multiple_of(sid * stripe, stripe)
    pltpu.sync_copy(proj_hbm.at[pl.ds(soff, stripe)],
                    shared_v.at[pl.ds(soff, stripe)])
    pltpu.sync_copy(idx_hbm.at[pl.ds(base * _SEQP, _BPW * _SEQP)], idx_v)
    plsc.subcore_barrier()
    bufs = (rows_a, rows_b)
    sems = (sem_a, sem_b)

    def chunk_copy(off, b):
        return pltpu.make_async_copy(
            shared_v.at[idx_v.at[pl.ds(off, _CHUNK)]], bufs[b], sems[b])

    def acc_chunk(buf):
        zero = jnp.zeros((_HID,), jnp.float32)

        def acc_fn(i, accs):
            a0, a1, a2, a3 = accs
            return (a0 + buf[4 * i, :], a1 + buf[4 * i + 1, :],
                    a2 + buf[4 * i + 2, :], a3 + buf[4 * i + 3, :])

        a0, a1, a2, a3 = lax.fori_loop(0, _CHUNK // 4, acc_fn,
                                       (zero, zero, zero, zero), unroll=4)
        return (a0 + a1) + (a2 + a3)

    chunk_copy(0, 0).start()
    chunk_copy(_CHUNK, 1).start()

    def row_fn(r, _):
        roff = pl.multiple_of(r * _SEQP, _SEQP)
        row_acc = jnp.zeros((_HID,), jnp.float32)
        for j in range(_NCHUNK):
            b = j % 2
            chunk_copy(roff + j * _CHUNK, b).wait()
            row_acc = row_acc + acc_chunk(bufs[b])
            if j + 2 < _NCHUNK:
                chunk_copy(roff + (j + 2) * _CHUNK, b).start()
            else:
                @pl.when(r + 1 < _BPW)
                def _():
                    chunk_copy(roff + _SEQP + (j + 2 - _NCHUNK) * _CHUNK,
                               b).start()
        sums_v[pl.ds(pl.multiple_of(r * _HID, _HID), _HID)] = row_acc
        return 0

    lax.fori_loop(0, _BPW, row_fn, 0)
    pltpu.sync_copy(sums_v, sums_hbm.at[pl.ds(base * _HID, _BPW * _HID)])


def _sc_pool(idx, proj):
    mesh = plsc.VectorSubcoreMesh(core_axis_name="c", subcore_axis_name="s")
    f = pl.kernel(
        _sc_body,
        out_type=jax.ShapeDtypeStruct((_BATCH * _HID,), jnp.float32),
        mesh=mesh,
        scratch_types=[
            pltpu.VMEM((_BPW * _SEQP,), jnp.int32),
            pltpu.VMEM((_CHUNK, _HID), jnp.float32),
            pltpu.VMEM((_CHUNK, _HID), jnp.float32),
            pltpu.VMEM((_BPW * _HID,), jnp.float32),
            pltpu.VMEM_SHARED((_VPAD, _HID), jnp.float32),
            pltpu.SemaphoreType.DMA,
            pltpu.SemaphoreType.DMA,
        ],
        compiler_params=pltpu.CompilerParams(use_tc_tiling_on_sc=False),
    )
    return f(idx, proj)


def _head_body(sums_ref, b1_ref, w2_ref, b2_ref, out_ref):
    h = jnp.maximum(sums_ref[...] * (1.0 / _SEQ) + b1_ref[...], 0.0)
    s = jnp.sum(h * w2_ref[...], axis=1, keepdims=True) + b2_ref[...]
    out_ref[...] = 1.0 / (1.0 + jnp.exp(-s))


def _head(sums, b1, w2, b2):
    return pl.pallas_call(
        _head_body,
        out_shape=jax.ShapeDtypeStruct((_BATCH, 1), jnp.float32),
    )(sums, b1.reshape(1, _HID), w2.reshape(1, _HID), b2.reshape(1, 1))


def kernel(inputs, table, W1, b1, W2, b2):
    proj = _project(table, W1)
    idx_p = jnp.pad(inputs.astype(jnp.int32), ((0, 0), (0, _SEQP - _SEQ)),
                    constant_values=_VOCAB).reshape(_BATCH * _SEQP)
    sums = _sc_pool(idx_p, proj).reshape(_BATCH, _HID)
    return _head(sums, b1, W2[:, 0], b2)

# --- scband reference (transcript-rebuilt; emitter-appended) ---
"""Pipeline reference for scband-rnntext-classifier-2130303778851 (READ-ONLY COPY).

The authoritative reference and input builder live on the scoring server;
editing this copy changes nothing except your own understanding.
"""

import jax, jax.numpy as jnp
import numpy as np

VOCAB = 100000
EMBED_DIM = 768
BATCH = 1024
SEQ = 500

def setup_inputs(seed: int = 0) -> dict:
    key = jax.random.key(seed)
    k_idx, k_emb, k_w1, k_b1, k_w2, k_b2 = jax.random.split(key, 6)
    inputs = jax.random.randint(k_idx, (BATCH, SEQ), 0, VOCAB, dtype=jnp.int64 if jax.config.jax_enable_x64 else jnp.int32)
    table = jax.random.normal(k_emb, (VOCAB, EMBED_DIM), dtype=jnp.float32) * 0.02
    W1 = jax.random.normal(k_w1, (EMBED_DIM, 16), dtype=jnp.float32) * 0.05
    b1 = jnp.zeros((16,), dtype=jnp.float32)
    W2 = jax.random.normal(k_w2, (16, 1), dtype=jnp.float32) * 0.25
    b2 = jnp.zeros((1,), dtype=jnp.float32)
    return {"inputs": inputs, "table": table, "W1": W1, "b1": b1, "W2": W2, "b2": b2}

def reference(inputs, table, W1, b1, W2, b2):
    # Embedding lookup (gather)
    e = jnp.take(table, inputs, axis=0)            # [B, S, D]
    # GlobalAveragePooling1D over sequence axis
    pooled = jnp.mean(e, axis=1)                   # [B, D]
    # Dense(16, relu)
    h2 = jax.nn.relu(pooled @ W1 + b1)             # [B, 16]
    # Dense(1, sigmoid)
    out = jax.nn.sigmoid(h2 @ W2 + b2)             # [B, 1]
    return out

if __name__ == "__main__":
    import jax
    _d = setup_inputs()
    print(jax.jit(kernel)(*tuple(_d.values())))

</pallas_src>

<mosaic_0001>
#map = affine_map<(d0, d1) -> (0)>
#map1 = affine_map<(d0, d1) -> (0, 0)>
module attributes {stable_mosaic.version = 14 : i64} {
  func.func @_sc_body(%arg0: i32, %arg1: i32, %arg2: memref<524288xi32, #tpu.memory_space<hbm>>, %arg3: memref<100096x16xf32, #tpu.memory_space<hbm>>, %arg4: memref<16384xf32, #tpu.memory_space<hbm>>, %arg5: memref<16384xi32, #tpu.memory_space<vmem>>, %arg6: memref<128x16xf32, #tpu.memory_space<vmem>>, %arg7: memref<128x16xf32, #tpu.memory_space<vmem>>, %arg8: memref<512xf32, #tpu.memory_space<vmem>>, %arg9: memref<100096x16xf32, #tpu.memory_space<vmem_shared>>, %arg10: memref<!tpu.dma_semaphore, #tpu.memory_space<semaphore_mem>>, %arg11: memref<!tpu.dma_semaphore, #tpu.memory_space<semaphore_mem>>) attributes {dimension_semantics = [#tpu.dimension_semantics<core_parallel>, #tpu.dimension_semantics<subcore_parallel>], iteration_bounds = array<i64: 2, 16>, scalar_prefetch = 0 : i64, scratch_operands = 7 : i64, tpu.core_type = #tpu.core_type<sc_vector_subcore>, window_params = [{transform_indices = #map}, {transform_indices = #map1}, {transform_indices = #map}]} {
    %mul3A = arith.constant 2 : i32
    %mul3A_0 = arith.muli %arg1, %mul3A : i32
    %add3A = arith.addi %mul3A_0, %arg0 : i32
    %mul3A_1 = arith.constant 32 : i32
    %mul3A_2 = arith.muli %add3A, %mul3A_1 : i32
    %mul3A_3 = arith.constant 6256 : i32
    %mul3A_4 = arith.muli %arg1, %mul3A_3 : i32
    %multiple_of3A = tpu.assume_multiple %mul3A_4, 6256 : i32
    "tpu.region"() ({
      %run_scoped3A = tpu.sem_alloc : memref<!tpu.dma_semaphore, #tpu.memory_space<semaphore_mem>>
      %dma_start3A_24 = arith.constant 0 : i32
      %dma_start3A_25 = tpu.memref_slice %arg9[%multiple_of3A, %dma_start3A_24] : memref<100096x16xf32, #tpu.memory_space<vmem_shared>> -> memref<6256x16xf32, #tpu.memory_space<vmem_shared>>
      %dma_start3A_26 = arith.constant 0 : i32
      %dma_start3A_27 = tpu.memref_slice %arg3[%multiple_of3A, %dma_start3A_26] : memref<100096x16xf32, #tpu.memory_space<hbm>> -> memref<6256x16xf32, #tpu.memory_space<hbm>>
      tpu.enqueue_dma source(%dma_start3A_27 : memref<6256x16xf32, #tpu.memory_space<hbm>>) target(%dma_start3A_25 : memref<6256x16xf32, #tpu.memory_space<vmem_shared>>) target_semaphore(%run_scoped3A : memref<!tpu.dma_semaphore, #tpu.memory_space<semaphore_mem>>)
      %dma_wait3A = arith.constant 0 : i32
      %dma_wait3A_28 = tpu.memref_slice %arg9[%multiple_of3A, %dma_wait3A] : memref<100096x16xf32, #tpu.memory_space<vmem_shared>> -> memref<6256x16xf32, #tpu.memory_space<vmem_shared>>
      %dma_wait3A_29 = arith.constant 0 : i32
      %dma_wait3A_30 = tpu.memref_slice %arg3[%multiple_of3A, %dma_wait3A_29] : memref<100096x16xf32, #tpu.memory_space<hbm>> -> memref<6256x16xf32, #tpu.memory_space<hbm>>
      tpu.wait_dma2 semaphore(%run_scoped3A : memref<!tpu.dma_semaphore, #tpu.memory_space<semaphore_mem>>) src(%dma_wait3A_30 : memref<6256x16xf32, #tpu.memory_space<hbm>>) dst(%dma_wait3A_28 : memref<6256x16xf32, #tpu.memory_space<vmem_shared>>)
      tpu.yield
    }) : () -> ()
    %mul3A_5 = arith.constant 512 : i32
    %mul3A_6 = arith.muli %mul3A_2, %mul3A_5 : i32
    "tpu.region"() ({
      %run_scoped3A = tpu.sem_alloc : memref<!tpu.dma_semaphore, #tpu.memory_space<semaphore_mem>>
      %dma_start3A_24 = tpu.memref_slice %arg2[%mul3A_6] : memref<524288xi32, #tpu.memory_space<hbm>> -> memref<16384xi32, #tpu.memory_space<hbm>>
      %dma_start3A_25 = tpu.memref_slice %arg2[%mul3A_6] : memref<524288xi32, #tpu.memory_space<hbm>> -> memref<16384xi32, #tpu.memory_space<hbm>>
      tpu.enqueue_dma source(%dma_start3A_25 : memref<16384xi32, #tpu.memory_space<hbm>>) target(%arg5 : memref<16384xi32, #tpu.memory_space<vmem>>) target_semaphore(%run_scoped3A : memref<!tpu.dma_semaphore, #tpu.memory_space<semaphore_mem>>)
      %dma_wait3A = tpu.memref_slice %arg2[%mul3A_6] : memref<524288xi32, #tpu.memory_space<hbm>> -> memref<16384xi32, #tpu.memory_space<hbm>>
      %dma_wait3A_26 = tpu.memref_slice %arg2[%mul3A_6] : memref<524288xi32, #tpu.memory_space<hbm>> -> memref<16384xi32, #tpu.memory_space<hbm>>
      tpu.wait_dma2 semaphore(%run_scoped3A : memref<!tpu.dma_semaphore, #tpu.memory_space<semaphore_mem>>) src(%dma_wait3A_26 : memref<16384xi32, #tpu.memory_space<hbm>>) dst(%arg5 : memref<16384xi32, #tpu.memory_space<vmem>>)
      tpu.yield
    }) : () -> ()
    %barrier3A = arith.constant 0 : index
    tpu.barrier barrier_id(%barrier3A)
    %dma_start3A = arith.constant 0 : i32
    %dma_start3A_7 = tpu.memref_slice %arg5[%dma_start3A] : memref<16384xi32, #tpu.memory_space<vmem>> -> memref<128xi32, #tpu.memory_space<vmem>>
    %dma_start3A_8 = arith.constant 0 : i32
    %dma_start3A_9 = arith.constant 0 : i32
    %dma_start3A_10 = tpu.memref_slice %arg9[%dma_start3A_8, %dma_start3A_9] : memref<100096x16xf32, #tpu.memory_space<vmem_shared>> -> memref<100096x16xf32, #tpu.memory_space<vmem_shared>>
    tpu.enqueue_indirect_dma source(%dma_start3A_10 : memref<100096x16xf32, #tpu.memory_space<vmem_shared>>) target(%arg6 : memref<128x16xf32, #tpu.memory_space<vmem>>) offsets(%dma_start3A_7 : memref<128xi32, #tpu.memory_space<vmem>>) semaphore(%arg10 : memref<!tpu.dma_semaphore, #tpu.memory_space<semaphore_mem>>)
    %dma_start3A_11 = arith.constant 128 : i32
    %dma_start3A_12 = tpu.memref_slice %arg5[%dma_start3A_11] : memref<16384xi32, #tpu.memory_space<vmem>> -> memref<128xi32, #tpu.memory_space<vmem>>
    %dma_start3A_13 = arith.constant 0 : i32
    %dma_start3A_14 = arith.constant 0 : i32
    %dma_start3A_15 = tpu.memref_slice %arg9[%dma_start3A_13, %dma_start3A_14] : memref<100096x16xf32, #tpu.memory_space<vmem_shared>> -> memref<100096x16xf32, #tpu.memory_space<vmem_shared>>
    tpu.enqueue_indirect_dma source(%dma_start3A_15 : memref<100096x16xf32, #tpu.memory_space<vmem_shared>>) target(%arg7 : memref<128x16xf32, #tpu.memory_space<vmem>>) offsets(%dma_start3A_12 : memref<128xi32, #tpu.memory_space<vmem>>) semaphore(%arg11 : memref<!tpu.dma_semaphore, #tpu.memory_space<semaphore_mem>>)
    %scan3A = arith.constant 0 : i32
    %scan3A_16 = arith.constant 0 : i32
    %scan3A_17 = arith.constant 32 : i32
    %scan3A_18 = arith.addi %scan3A_16, %scan3A_17 : i32
    %scan3A_19 = arith.constant 1 : i32
    %scan3A_20 = scf.for %scan3A_24 = %scan3A_16 to %scan3A_18 step %scan3A_19 iter_args(%scan3A_25 = %scan3A) -> (i32)  : i32 {
      %mul3A_26 = arith.constant 512 : i32
      %mul3A_27 = arith.muli %scan3A_24, %mul3A_26 : i32
      %multiple_of3A_28 = tpu.assume_multiple %mul3A_27, 512 : i32
      %broadcast_in_dim3A = arith.constant 0.000000e+00 : f32
      %broadcast_in_dim3A_29 = vector.broadcast %broadcast_in_dim3A : f32 to vector<16xf32>
      %add3A_30 = arith.constant 0 : i32
      %add3A_31 = arith.addi %multiple_of3A_28, %add3A_30 : i32
      %dma_wait3A = tpu.memref_slice %arg5[%add3A_31] : memref<16384xi32, #tpu.memory_space<vmem>> -> memref<128xi32, #tpu.memory_space<vmem>>
      %dma_wait3A_32 = arith.constant 0 : i32
      %dma_wait3A_33 = arith.constant 0 : i32
      %dma_wait3A_34 = tpu.memref_slice %arg9[%dma_wait3A_32, %dma_wait3A_33] : memref<100096x16xf32, #tpu.memory_space<vmem_shared>> -> memref<100096x16xf32, #tpu.memory_space<vmem_shared>>
      tpu.wait_indirect_dma semaphore(%arg10 : memref<!tpu.dma_semaphore, #tpu.memory_space<semaphore_mem>>) src(%dma_wait3A_34 : memref<100096x16xf32, #tpu.memory_space<vmem_shared>>) dst(%arg6 : memref<128x16xf32, #tpu.memory_space<vmem>>)
      %broadcast_in_dim3A_35 = arith.constant 0.000000e+00 : f32
      %broadcast_in_dim3A_36 = vector.broadcast %broadcast_in_dim3A_35 : f32 to vector<16xf32>
      %scan3A_37 = arith.constant 0 : i32
      %scan3A_38 = arith.constant 32 : i32
      %scan3A_39 = arith.addi %scan3A_37, %scan3A_38 : i32
      %scan3A_40 = arith.constant 4 : i32
      %scan3A_41:4 = scf.for %scan3A_131 = %scan3A_37 to %scan3A_39 step %scan3A_40 iter_args(%scan3A_132 = %broadcast_in_dim3A_36, %scan3A_133 = %broadcast_in_dim3A_36, %scan3A_134 = %broadcast_in_dim3A_36, %scan3A_135 = %broadcast_in_dim3A_36) -> (vector<16xf32>, vector<16xf32>, vector<16xf32>, vector<16xf32>)  : i32 {
        %mul3A_136 = arith.constant 4 : i32
        %mul3A_137 = arith.muli %mul3A_136, %scan3A_131 : i32
        %get3A = arith.index_cast %mul3A_137 : i32 to index
        %get3A_138 = arith.constant 0 : index
        %get3A_139 = tpu.vector_load %arg6[%get3A, %get3A_138] {strides = array<i32>} : memref<128x16xf32, #tpu.memory_space<vmem>>, vector<1x16xf32>,
        %get3A_140 = vector.shape_cast %get3A_139 : vector<1x16xf32> to vector<16xf32>
        %add3A_141 = arith.addf %scan3A_132, %get3A_140 : vector<16xf32>
        %mul3A_142 = arith.constant 4 : i32
        %mul3A_143 = arith.muli %mul3A_142, %scan3A_131 : i32
        %add3A_144 = arith.constant 1 : i32
        %add3A_145 = arith.addi %mul3A_143, %add3A_144 : i32
        %get3A_146 = arith.index_cast %add3A_145 : i32 to index
        %get3A_147 = arith.constant 0 : index
        %get3A_148 = tpu.vector_load %arg6[%get3A_146, %get3A_147] {strides = array<i32>} : memref<128x16xf32, #tpu.memory_space<vmem>>, vector<1x16xf32>,
        %get3A_149 = vector.shape_cast %get3A_148 : vector<1x16xf32> to vector<16xf32>
        %add3A_150 = arith.addf %scan3A_133, %get3A_149 : vector<16xf32>
        %mul3A_151 = arith.constant 4 : i32
        %mul3A_152 = arith.muli %mul3A_151, %scan3A_131 : i32
        %add3A_153 = arith.constant 2 : i32
        %add3A_154 = arith.addi %mul3A_152, %add3A_153 : i32
        %get3A_155 = arith.index_cast %add3A_154 : i32 to index
        %get3A_156 = arith.constant 0 : index
        %get3A_157 = tpu.vector_load %arg6[%get3A_155, %get3A_156] {strides = array<i32>} : memref<128x16xf32, #tpu.memory_space<vmem>>, vector<1x16xf32>,
        %get3A_158 = vector.shape_cast %get3A_157 : vector<1x16xf32> to vector<16xf32>
        %add3A_159 = arith.addf %scan3A_134, %get3A_158 : vector<16xf32>
        %mul3A_160 = arith.constant 4 : i32
        %mul3A_161 = arith.muli %mul3A_160, %scan3A_131 : i32
        %add3A_162 = arith.constant 3 : i32
        %add3A_163 = arith.addi %mul3A_161, %add3A_162 : i32
        %get3A_164 = arith.index_cast %add3A_163 : i32 to index
        %get3A_165 = arith.constant 0 : index
        %get3A_166 = tpu.vector_load %arg6[%get3A_164, %get3A_165] {strides = array<i32>} : memref<128x16xf32, #tpu.memory_space<vmem>>, vector<1x16xf32>,
        %get3A_167 = vector.shape_cast %get3A_166 : vector<1x16xf32> to vector<16xf32>
        %add3A_168 = arith.addf %scan3A_135, %get3A_167 : vector<16xf32>
        %scan3A_169 = arith.constant 1 : i32
        %scan3A_170 = arith.addi %scan3A_131, %scan3A_169 : i32
        %mul3A_171 = arith.constant 4 : i32
        %mul3A_172 = arith.muli %mul3A_171, %scan3A_170 : i32
        %get3A_173 = arith.index_cast %mul3A_172 : i32 to index
        %get3A_174 = arith.constant 0 : index
        %get3A_175 = tpu.vector_load %arg6[%get3A_173, %get3A_174] {strides = array<i32>} : memref<128x16xf32, #tpu.memory_space<vmem>>, vector<1x16xf32>,
        %get3A_176 = vector.shape_cast %get3A_175 : vector<1x16xf32> to vector<16xf32>
        %add3A_177 = arith.addf %add3A_141, %get3A_176 : vector<16xf32>
        %mul3A_178 = arith.constant 4 : i32
        %mul3A_179 = arith.muli %mul3A_178, %scan3A_170 : i32
        %add3A_180 = arith.constant 1 : i32
        %add3A_181 = arith.addi %mul3A_179, %add3A_180 : i32
        %get3A_182 = arith.index_cast %add3A_181 : i32 to index
        %get3A_183 = arith.constant 0 : index
        %get3A_184 = tpu.vector_load %arg6[%get3A_182, %get3A_183] {strides = array<i32>} : memref<128x16xf32, #tpu.memory_space<vmem>>, vector<1x16xf32>,
        %get3A_185 = vector.shape_cast %get3A_184 : vector<1x16xf32> to vector<16xf32>
        %add3A_186 = arith.addf %add3A_150, %get3A_185 : vector<16xf32>
        %mul3A_187 = arith.constant 4 : i32
        %mul3A_188 = arith.muli %mul3A_187, %scan3A_170 : i32
        %add3A_189 = arith.constant 2 : i32
        %add3A_190 = arith.addi %mul3A_188, %add3A_189 : i32
        %get3A_191 = arith.index_cast %add3A_190 : i32 to index
        %get3A_192 = arith.constant 0 : index
        %get3A_193 = tpu.vector_load %arg6[%get3A_191, %get3A_192] {strides = array<i32>} : memref<128x16xf32, #tpu.memory_space<vmem>>, vector<1x16xf32>,
        %get3A_194 = vector.shape_cast %get3A_193 : vector<1x16xf32> to vector<16xf32>
        %add3A_195 = arith.addf %add3A_159, %get3A_194 : vector<16xf32>
        %mul3A_196 = arith.constant 4 : i32
        %mul3A_197 = arith.muli %mul3A_196, %scan3A_170 : i32
        %add3A_198 = arith.constant 3 : i32
        %add3A_199 = arith.addi %mul3A_197, %add3A_198 : i32
        %get3A_200 = arith.index_cast %add3A_199 : i32 to index
        %get3A_201 = arith.constant 0 : index
        %get3A_202 = tpu.vector_load %arg6[%get3A_200, %get3A_201] {strides = array<i32>} : memref<128x16xf32, #tpu.memory_space<vmem>>, vector<1x16xf32>,
        %get3A_203 = vector.shape_cast %get3A_202 : vector<1x16xf32> to vector<16xf32>
        %add3A_204 = arith.addf %add3A_168, %get3A_203 : vector<16xf32>
        %scan3A_205 = arith.constant 2 : i32
        %scan3A_206 = arith.addi %scan3A_131, %scan3A_205 : i32
        %mul3A_207 = arith.constant 4 : i32
        %mul3A_208 = arith.muli %mul3A_207, %scan3A_206 : i32
        %get3A_209 = arith.index_cast %mul3A_208 : i32 to index
        %get3A_210 = arith.constant 0 : index
        %get3A_211 = tpu.vector_load %arg6[%get3A_209, %get3A_210] {strides = array<i32>} : memref<128x16xf32, #tpu.memory_space<vmem>>, vector<1x16xf32>,
        %get3A_212 = vector.shape_cast %get3A_211 : vector<1x16xf32> to vector<16xf32>
        %add3A_213 = arith.addf %add3A_177, %get3A_212 : vector<16xf32>
        %mul3A_214 = arith.constant 4 : i32
        %mul3A_215 = arith.muli %mul3A_214, %scan3A_206 : i32
        %add3A_216 = arith.constant 1 : i32
        %add3A_217 = arith.addi %mul3A_215, %add3A_216 : i32
        %get3A_218 = arith.index_cast %add3A_217 : i32 to index
        %get3A_219 = arith.constant 0 : index
        %get3A_220 = tpu.vector_load %arg6[%get3A_218, %get3A_219] {strides = array<i32>} : memref<128x16xf32, #tpu.memory_space<vmem>>, vector<1x16xf32>,
        %get3A_221 = vector.shape_cast %get3A_220 : vector<1x16xf32> to vector<16xf32>
        %add3A_222 = arith.addf %add3A_186, %get3A_221 : vector<16xf32>
        %mul3A_223 = arith.constant 4 : i32
        %mul3A_224 = arith.muli %mul3A_223, %scan3A_206 : i32
        %add3A_225 = arith.constant 2 : i32
        %add3A_226 = arith.addi %mul3A_224, %add3A_225 : i32
        %get3A_227 = arith.index_cast %add3A_226 : i32 to index
        %get3A_228 = arith.constant 0 : index
        %get3A_229 = tpu.vector_load %arg6[%get3A_227, %get3A_228] {strides = array<i32>} : memref<128x16xf32, #tpu.memory_space<vmem>>, vector<1x16xf32>,
        %get3A_230 = vector.shape_cast %get3A_229 : vector<1x16xf32> to vector<16xf32>
        %add3A_231 = arith.addf %add3A_195, %get3A_230 : vector<16xf32>
        %mul3A_232 = arith.constant 4 : i32
        %mul3A_233 = arith.muli %mul3A_232, %scan3A_206 : i32
        %add3A_234 = arith.constant 3 : i32
        %add3A_235 = arith.addi %mul3A_233, %add3A_234 : i32
        %get3A_236 = arith.index_cast %add3A_235 : i32 to index
        %get3A_237 = arith.constant 0 : index
        %get3A_238 = tpu.vector_load %arg6[%get3A_236, %get3A_237] {strides = array<i32>} : memref<128x16xf32, #tpu.memory_space<vmem>>, vector<1x16xf32>,
        %get3A_239 = vector.shape_cast %get3A_238 : vector<1x16xf32> to vector<16xf32>
        %add3A_240 = arith.addf %add3A_204, %get3A_239 : vector<16xf32>
        %scan3A_241 = arith.constant 3 : i32
        %scan3A_242 = arith.addi %scan3A_131, %scan3A_241 : i32
        %mul3A_243 = arith.constant 4 : i32
        %mul3A_244 = arith.muli %mul3A_243, %scan3A_242 : i32
        %get3A_245 = arith.index_cast %mul3A_244 : i32 to index
        %get3A_246 = arith.constant 0 : index
        %get3A_247 = tpu.vector_load %arg6[%get3A_245, %get3A_246] {strides = array<i32>} : memref<128x16xf32, #tpu.memory_space<vmem>>, vector<1x16xf32>,
        %get3A_248 = vector.shape_cast %get3A_247 : vector<1x16xf32> to vector<16xf32>
        %add3A_249 = arith.addf %add3A_213, %get3A_248 : vector<16xf32>
        %mul3A_250 = arith.constant 4 : i32
        %mul3A_251 = arith.muli %mul3A_250, %scan3A_242 : i32
        %add3A_252 = arith.constant 1 : i32
        %add3A_253 = arith.addi %mul3A_251, %add3A_252 : i32
        %get3A_254 = arith.index_cast %add3A_253 : i32 to index
        %get3A_255 = arith.constant 0 : index
        %get3A_256 = tpu.vector_load %arg6[%get3A_254, %get3A_255] {strides = array<i32>} : memref<128x16xf32, #tpu.memory_space<vmem>>, vector<1x16xf32>,
        %get3A_257 = vector.shape_cast %get3A_256 : vector<1x16xf32> to vector<16xf32>
        %add3A_258 = arith.addf %add3A_222, %get3A_257 : vector<16xf32>
        %mul3A_259 = arith.constant 4 : i32
        %mul3A_260 = arith.muli %mul3A_259, %scan3A_242 : i32
        %add3A_261 = arith.constant 2 : i32
        %add3A_262 = arith.addi %mul3A_260, %add3A_261 : i32
        %get3A_263 = arith.index_cast %add3A_262 : i32 to index
        %get3A_264 = arith.constant 0 : index
        %get3A_265 = tpu.vector_load %arg6[%get3A_263, %get3A_264] {strides = array<i32>} : memref<128x16xf32, #tpu.memory_space<vmem>>, vector<1x16xf32>,
        %get3A_266 = vector.shape_cast %get3A_265 : vector<1x16xf32> to vector<16xf32>
        %add3A_267 = arith.addf %add3A_231, %get3A_266 : vector<16xf32>
        %mul3A_268 = arith.constant 4 : i32
        %mul3A_269 = arith.muli %mul3A_268, %scan3A_242 : i32
        %add3A_270 = arith.constant 3 : i32
        %add3A_271 = arith.addi %mul3A_269, %add3A_270 : i32
        %get3A_272 = arith.index_cast %add3A_271 : i32 to index
        %get3A_273 = arith.constant 0 : index
        %get3A_274 = tpu.vector_load %arg6[%get3A_272, %get3A_273] {strides = array<i32>} : memref<128x16xf32, #tpu.memory_space<vmem>>, vector<1x16xf32>,
        %get3A_275 = vector.shape_cast %get3A_274 : vector<1x16xf32> to vector<16xf32>
        %add3A_276 = arith.addf %add3A_240, %get3A_275 : vector<16xf32>
        scf.yield %add3A_249, %add3A_258, %add3A_267, %add3A_276 : vector<16xf32>, vector<16xf32>, vector<16xf32>, vector<16xf32>
      }
      %scan3A_42 = arith.constant 32 : i32
      %add3A_43 = arith.addf %scan3A_41#0, %scan3A_41#1 : vector<16xf32>
      %add3A_44 = arith.addf %scan3A_41#2, %scan3A_41#3 : vector<16xf32>
      %add3A_45 = arith.addf %add3A_43, %add3A_44 : vector<16xf32>
      %add3A_46 = arith.addf %broadcast_in_dim3A_29, %add3A_45 : vector<16xf32>
      %add3A_47 = arith.constant 256 : i32
      %add3A_48 = arith.addi %multiple_of3A_28, %add3A_47 : i32
      %dma_start3A_49 = tpu.memref_slice %arg5[%add3A_48] : memref<16384xi32, #tpu.memory_space<vmem>> -> memref<128xi32, #tpu.memory_space<vmem>>
      %dma_start3A_50 = arith.constant 0 : i32
      %dma_start3A_51 = arith.constant 0 : i32
      %dma_start3A_52 = tpu.memref_slice %arg9[%dma_start3A_50, %dma_start3A_51] : memref<100096x16xf32, #tpu.memory_space<vmem_shared>> -> memref<100096x16xf32, #tpu.memory_space<vmem_shared>>
      tpu.enqueue_indirect_dma source(%dma_start3A_52 : memref<100096x16xf32, #tpu.memory_space<vmem_shared>>) target(%arg6 : memref<128x16xf32, #tpu.memory_space<vmem>>) offsets(%dma_start3A_49 : memref<128xi32, #tpu.memory_space<vmem>>) semaphore(%arg10 : memref<!tpu.dma_semaphore, #tpu.memory_space<semaphore_mem>>)
      %add3A_53 = arith.constant 128 : i32
      %add3A_54 = arith.addi %multiple_of3A_28, %add3A_53 : i32
      %dma_wait3A_55 = tpu.memref_slice %arg5[%add3A_54] : memref<16384xi32, #tpu.memory_space<vmem>> -> memref<128xi32, #tpu.memory_space<vmem>>
      %dma_wait3A_56 = arith.constant 0 : i32
      %dma_wait3A_57 = arith.constant 0 : i32
      %dma_wait3A_58 = tpu.memref_slice %arg9[%dma_wait3A_56, %dma_wait3A_57] : memref<100096x16xf32, #tpu.memory_space<vmem_shared>> -> memref<100096x16xf32, #tpu.memory_space<vmem_shared>>
      tpu.wait_indirect_dma semaphore(%arg11 : memref<!tpu.dma_semaphore, #tpu.memory_space<semaphore_mem>>) src(%dma_wait3A_58 : memref<100096x16xf32, #tpu.memory_space<vmem_shared>>) dst(%arg7 : memref<128x16xf32, #tpu.memory_space<vmem>>)
      %broadcast_in_dim3A_59 = arith.constant 0.000000e+00 : f32
      %broadcast_in_dim3A_60 = vector.broadcast %broadcast_in_dim3A_59 : f32 to vector<16xf32>
      %scan3A_61 = arith.constant 0 : i32
      %scan3A_62 = arith.constant 32 : i32
      %scan3A_63 = arith.addi %scan3A_61, %scan3A_62 : i32
      %scan3A_64 = arith.constant 4 : i32
      %scan3A_65:4 = scf.for %scan3A_131 = %scan3A_61 to %scan3A_63 step %scan3A_64 iter_args(%scan3A_132 = %broadcast_in_dim3A_60, %scan3A_133 = %broadcast_in_dim3A_60, %scan3A_134 = %broadcast_in_dim3A_60, %scan3A_135 = %broadcast_in_dim3A_60) -> (vector<16xf32>, vector<16xf32>, vector<16xf32>, vector<16xf32>)  : i32 {
        %mul3A_136 = arith.constant 4 : i32
        %mul3A_137 = arith.muli %mul3A_136, %scan3A_131 : i32
        %get3A = arith.index_cast %mul3A_137 : i32 to index
        %get3A_138 = arith.constant 0 : index
        %get3A_139 = tpu.vector_load %arg7[%get3A, %get3A_138] {strides = array<i32>} : memref<128x16xf32, #tpu.memory_space<vmem>>, vector<1x16xf32>,
        %get3A_140 = vector.shape_cast %get3A_139 : vector<1x16xf32> to vector<16xf32>
        %add3A_141 = arith.addf %scan3A_132, %get3A_140 : vector<16xf32>
        %mul3A_142 = arith.constant 4 : i32
        %mul3A_143 = arith.muli %mul3A_142, %scan3A_131 : i32
        %add3A_144 = arith.constant 1 : i32
        %add3A_145 = arith.addi %mul3A_143, %add3A_144 : i32
        %get3A_146 = arith.index_cast %add3A_145 : i32 to index
        %get3A_147 = arith.constant 0 : index
        %get3A_148 = tpu.vector_load %arg7[%get3A_146, %get3A_147] {strides = array<i32>} : memref<128x16xf32, #tpu.memory_space<vmem>>, vector<1x16xf32>,
        %get3A_149 = vector.shape_cast %get3A_148 : vector<1x16xf32> to vector<16xf32>
        %add3A_150 = arith.addf %scan3A_133, %get3A_149 : vector<16xf32>
        %mul3A_151 = arith.constant 4 : i32
        %mul3A_152 = arith.muli %mul3A_151, %scan3A_131 : i32
        %add3A_153 = arith.constant 2 : i32
        %add3A_154 = arith.addi %mul3A_152, %add3A_153 : i32
        %get3A_155 = arith.index_cast %add3A_154 : i32 to index
        %get3A_156 = arith.constant 0 : index
        %get3A_157 = tpu.vector_load %arg7[%get3A_155, %get3A_156] {strides = array<i32>} : memref<128x16xf32, #tpu.memory_space<vmem>>, vector<1x16xf32>,
        %get3A_158 = vector.shape_cast %get3A_157 : vector<1x16xf32> to vector<16xf32>
        %add3A_159 = arith.addf %scan3A_134, %get3A_158 : vector<16xf32>
        %mul3A_160 = arith.constant 4 : i32
        %mul3A_161 = arith.muli %mul3A_160, %scan3A_131 : i32
        %add3A_162 = arith.constant 3 : i32
        %add3A_163 = arith.addi %mul3A_161, %add3A_162 : i32
        %get3A_164 = arith.index_cast %add3A_163 : i32 to index
        %get3A_165 = arith.constant 0 : index
        %get3A_166 = tpu.vector_load %arg7[%get3A_164, %get3A_165] {strides = array<i32>} : memref<128x16xf32, #tpu.memory_space<vmem>>, vector<1x16xf32>,
        %get3A_167 = vector.shape_cast %get3A_166 : vector<1x16xf32> to vector<16xf32>
        %add3A_168 = arith.addf %scan3A_135, %get3A_167 : vector<16xf32>
        %scan3A_169 = arith.constant 1 : i32
        %scan3A_170 = arith.addi %scan3A_131, %scan3A_169 : i32
        %mul3A_171 = arith.constant 4 : i32
        %mul3A_172 = arith.muli %mul3A_171, %scan3A_170 : i32
        %get3A_173 = arith.index_cast %mul3A_172 : i32 to index
        %get3A_174 = arith.constant 0 : index
        %get3A_175 = tpu.vector_load %arg7[%get3A_173, %get3A_174] {strides = array<i32>} : memref<128x16xf32, #tpu.memory_space<vmem>>, vector<1x16xf32>,
        %get3A_176 = vector.shape_cast %get3A_175 : vector<1x16xf32> to vector<16xf32>
        %add3A_177 = arith.addf %add3A_141, %get3A_176 : vector<16xf32>
        %mul3A_178 = arith.constant 4 : i32
        %mul3A_179 = arith.muli %mul3A_178, %scan3A_170 : i32
        %add3A_180 = arith.constant 1 : i32
        %add3A_181 = arith.addi %mul3A_179, %add3A_180 : i32
        %get3A_182 = arith.index_cast %add3A_181 : i32 to index
        %get3A_183 = arith.constant 0 : index
        %get3A_184 = tpu.vector_load %arg7[%get3A_182, %get3A_183] {strides = array<i32>} : memref<128x16xf32, #tpu.memory_space<vmem>>, vector<1x16xf32>,
        %get3A_185 = vector.shape_cast %get3A_184 : vector<1x16xf32> to vector<16xf32>
        %add3A_186 = arith.addf %add3A_150, %get3A_185 : vector<16xf32>
        %mul3A_187 = arith.constant 4 : i32
        %mul3A_188 = arith.muli %mul3A_187, %scan3A_170 : i32
        %add3A_189 = arith.constant 2 : i32
        %add3A_190 = arith.addi %mul3A_188, %add3A_189 : i32
        %get3A_191 = arith.index_cast %add3A_190 : i32 to index
        %get3A_192 = arith.constant 0 : index
        %get3A_193 = tpu.vector_load %arg7[%get3A_191, %get3A_192] {strides = array<i32>} : memref<128x16xf32, #tpu.memory_space<vmem>>, vector<1x16xf32>,
        %get3A_194 = vector.shape_cast %get3A_193 : vector<1x16xf32> to vector<16xf32>
        %add3A_195 = arith.addf %add3A_159, %get3A_194 : vector<16xf32>
        %mul3A_196 = arith.constant 4 : i32
        %mul3A_197 = arith.muli %mul3A_196, %scan3A_170 : i32
        %add3A_198 = arith.constant 3 : i32
        %add3A_199 = arith.addi %mul3A_197, %add3A_198 : i32
        %get3A_200 = arith.index_cast %add3A_199 : i32 to index
        %get3A_201 = arith.constant 0 : index
        %get3A_202 = tpu.vector_load %arg7[%get3A_200, %get3A_201] {strides = array<i32>} : memref<128x16xf32, #tpu.memory_space<vmem>>, vector<1x16xf32>,
        %get3A_203 = vector.shape_cast %get3A_202 : vector<1x16xf32> to vector<16xf32>
        %add3A_204 = arith.addf %add3A_168, %get3A_203 : vector<16xf32>
        %scan3A_205 = arith.constant 2 : i32
        %scan3A_206 = arith.addi %scan3A_131, %scan3A_205 : i32
        %mul3A_207 = arith.constant 4 : i32
        %mul3A_208 = arith.muli %mul3A_207, %scan3A_206 : i32
        %get3A_209 = arith.index_cast %mul3A_208 : i32 to index
        %get3A_210 = arith.constant 0 : index
        %get3A_211 = tpu.vector_load %arg7[%get3A_209, %get3A_210] {strides = array<i32>} : memref<128x16xf32, #tpu.memory_space<vmem>>, vector<1x16xf32>,
        %get3A_212 = vector.shape_cast %get3A_211 : vector<1x16xf32> to vector<16xf32>
        %add3A_213 = arith.addf %add3A_177, %get3A_212 : vector<16xf32>
        %mul3A_214 = arith.constant 4 : i32
        %mul3A_215 = arith.muli %mul3A_214, %scan3A_206 : i32
        %add3A_216 = arith.constant 1 : i32
        %add3A_217 = arith.addi %mul3A_215, %add3A_216 : i32
        %get3A_218 = arith.index_cast %add3A_217 : i32 to index
        %get3A_219 = arith.constant 0 : index
        %get3A_220 = tpu.vector_load %arg7[%get3A_218, %get3A_219] {strides = array<i32>} : memref<128x16xf32, #tpu.memory_space<vmem>>, vector<1x16xf32>,
        %get3A_221 = vector.shape_cast %get3A_220 : vector<1x16xf32> to vector<16xf32>
        %add3A_222 = arith.addf %add3A_186, %get3A_221 : vector<16xf32>
        %mul3A_223 = arith.constant 4 : i32
        %mul3A_224 = arith.muli %mul3A_223, %scan3A_206 : i32
        %add3A_225 = arith.constant 2 : i32
        %add3A_226 = arith.addi %mul3A_224, %add3A_225 : i32
        %get3A_227 = arith.index_cast %add3A_226 : i32 to index
        %get3A_228 = arith.constant 0 : index
        %get3A_229 = tpu.vector_load %arg7[%get3A_227, %get3A_228] {strides = array<i32>} : memref<128x16xf32, #tpu.memory_space<vmem>>, vector<1x16xf32>,
        %get3A_230 = vector.shape_cast %get3A_229 : vector<1x16xf32> to vector<16xf32>
        %add3A_231 = arith.addf %add3A_195, %get3A_230 : vector<16xf32>
        %mul3A_232 = arith.constant 4 : i32
        %mul3A_233 = arith.muli %mul3A_232, %scan3A_206 : i32
        %add3A_234 = arith.constant 3 : i32
        %add3A_235 = arith.addi %mul3A_233, %add3A_234 : i32
        %get3A_236 = arith.index_cast %add3A_235 : i32 to index
        %get3A_237 = arith.constant 0 : index
        %get3A_238 = tpu.vector_load %arg7[%get3A_236, %get3A_237] {strides = array<i32>} : memref<128x16xf32, #tpu.memory_space<vmem>>, vector<1x16xf32>,
        %get3A_239 = vector.shape_cast %get3A_238 : vector<1x16xf32> to vector<16xf32>
        %add3A_240 = arith.addf %add3A_204, %get3A_239 : vector<16xf32>
        %scan3A_241 = arith.constant 3 : i32
        %scan3A_242 = arith.addi %scan3A_131, %scan3A_241 : i32
        %mul3A_243 = arith.constant 4 : i32
        %mul3A_244 = arith.muli %mul3A_243, %scan3A_242 : i32
        %get3A_245 = arith.index_cast %mul3A_244 : i32 to index
        %get3A_246 = arith.constant 0 : index
        %get3A_247 = tpu.vector_load %arg7[%get3A_245, %get3A_246] {strides = array<i32>} : memref<128x16xf32, #tpu.memory_space<vmem>>, vector<1x16xf32>,
        %get3A_248 = vector.shape_cast %get3A_247 : vector<1x16xf32> to vector<16xf32>
        %add3A_249 = arith.addf %add3A_213, %get3A_248 : vector<16xf32>
        %mul3A_250 = arith.constant 4 : i32
        %mul3A_251 = arith.muli %mul3A_250, %scan3A_242 : i32
        %add3A_252 = arith.constant 1 : i32
        %add3A_253 = arith.addi %mul3A_251, %add3A_252 : i32
        %get3A_254 = arith.index_cast %add3A_253 : i32 to index
        %get3A_255 = arith.constant 0 : index
        %get3A_256 = tpu.vector_load %arg7[%get3A_254, %get3A_255] {strides = array<i32>} : memref<128x16xf32, #tpu.memory_space<vmem>>, vector<1x16xf32>,
        %get3A_257 = vector.shape_cast %get3A_256 : vector<1x16xf32> to vector<16xf32>
        %add3A_258 = arith.addf %add3A_222, %get3A_257 : vector<16xf32>
        %mul3A_259 = arith.constant 4 : i32
        %mul3A_260 = arith.muli %mul3A_259, %scan3A_242 : i32
        %add3A_261 = arith.constant 2 : i32
        %add3A_262 = arith.addi %mul3A_260, %add3A_261 : i32
        %get3A_263 = arith.index_cast %add3A_262 : i32 to index
        %get3A_264 = arith.constant 0 : index
        %get3A_265 = tpu.vector_load %arg7[%get3A_263, %get3A_264] {strides = array<i32>} : memref<128x16xf32, #tpu.memory_space<vmem>>, vector<1x16xf32>,
        %get3A_266 = vector.shape_cast %get3A_265 : vector<1x16xf32> to vector<16xf32>
        %add3A_267 = arith.addf %add3A_231, %get3A_266 : vector<16xf32>
        %mul3A_268 = arith.constant 4 : i32
        %mul3A_269 = arith.muli %mul3A_268, %scan3A_242 : i32
        %add3A_270 = arith.constant 3 : i32
        %add3A_271 = arith.addi %mul3A_269, %add3A_270 : i32
        %get3A_272 = arith.index_cast %add3A_271 : i32 to index
        %get3A_273 = arith.constant 0 : index
        %get3A_274 = tpu.vector_load %arg7[%get3A_272, %get3A_273] {strides = array<i32>} : memref<128x16xf32, #tpu.memory_space<vmem>>, vector<1x16xf32>,
        %get3A_275 = vector.shape_cast %get3A_274 : vector<1x16xf32> to vector<16xf32>
        %add3A_276 = arith.addf %add3A_240, %get3A_275 : vector<16xf32>
        scf.yield %add3A_249, %add3A_258, %add3A_267, %add3A_276 : vector<16xf32>, vector<16xf32>, vector<16xf32>, vector<16xf32>
      }
      %scan3A_66 = arith.constant 32 : i32
      %add3A_67 = arith.addf %scan3A_65#0, %scan3A_65#1 : vector<16xf32>
      %add3A_68 = arith.addf %scan3A_65#2, %scan3A_65#3 : vector<16xf32>
      %add3A_69 = arith.addf %add3A_67, %add3A_68 : vector<16xf32>
      %add3A_70 = arith.addf %add3A_46, %add3A_69 : vector<16xf32>
      %add3A_71 = arith.constant 384 : i32
      %add3A_72 = arith.addi %multiple_of3A_28, %add3A_71 : i32
      %dma_start3A_73 = tpu.memref_slice %arg5[%add3A_72] : memref<16384xi32, #tpu.memory_space<vmem>> -> memref<128xi32, #tpu.memory_space<vmem>>
      %dma_start3A_74 = arith.constant 0 : i32
      %dma_start3A_75 = arith.constant 0 : i32
      %dma_start3A_76 = tpu.memref_slice %arg9[%dma_start3A_74, %dma_start3A_75] : memref<100096x16xf32, #tpu.memory_space<vmem_shared>> -> memref<100096x16xf32, #tpu.memory_space<vmem_shared>>
      tpu.enqueue_indirect_dma source(%dma_start3A_76 : memref<100096x16xf32, #tpu.memory_space<vmem_shared>>) target(%arg7 : memref<128x16xf32, #tpu.memory_space<vmem>>) offsets(%dma_start3A_73 : memref<128xi32, #tpu.memory_space<vmem>>) semaphore(%arg11 : memref<!tpu.dma_semaphore, #tpu.memory_space<semaphore_mem>>)
      %add3A_77 = arith.constant 256 : i32
      %add3A_78 = arith.addi %multiple_of3A_28, %add3A_77 : i32
      %dma_wait3A_79 = tpu.memref_slice %arg5[%add3A_78] : memref<16384xi32, #tpu.memory_space<vmem>> -> memref<128xi32, #tpu.memory_space<vmem>>
      %dma_wait3A_80 = arith.constant 0 : i32
      %dma_wait3A_81 = arith.constant 0 : i32
      %dma_wait3A_82 = tpu.memref_slice %arg9[%dma_wait3A_80, %dma_wait3A_81] : memref<100096x16xf32, #tpu.memory_space<vmem_shared>> -> memref<100096x16xf32, #tpu.memory_space<vmem_shared>>
      tpu.wait_indirect_dma semaphore(%arg10 : memref<!tpu.dma_semaphore, #tpu.memory_space<semaphore_mem>>) src(%dma_wait3A_82 : memref<100096x16xf32, #tpu.memory_space<vmem_shared>>) dst(%arg6 : memref<128x16xf32, #tpu.memory_space<vmem>>)
      %broadcast_in_dim3A_83 = arith.constant 0.000000e+00 : f32
      %broadcast_in_dim3A_84 = vector.broadcast %broadcast_in_dim3A_83 : f32 to vector<16xf32>
      %scan3A_85 = arith.constant 0 : i32
      %scan3A_86 = arith.constant 32 : i32
      %scan3A_87 = arith.addi %scan3A_85, %scan3A_86 : i32
      %scan3A_88 = arith.constant 4 : i32
      %scan3A_89:4 = scf.for %scan3A_131 = %scan3A_85 to %scan3A_87 step %scan3A_88 iter_args(%scan3A_132 = %broadcast_in_dim3A_84, %scan3A_133 = %broadcast_in_dim3A_84, %scan3A_134 = %broadcast_in_dim3A_84, %scan3A_135 = %broadcast_in_dim3A_84) -> (vector<16xf32>, vector<16xf32>, vector<16xf32>, vector<16xf32>)  : i32 {
        %mul3A_136 = arith.constant 4 : i32
        %mul3A_137 = arith.muli %mul3A_136, %scan3A_131 : i32
        %get3A = arith.index_cast %mul3A_137 : i32 to index
        %get3A_138 = arith.constant 0 : index
        %get3A_139 = tpu.vector_load %arg6[%get3A, %get3A_138] {strides = array<i32>} : memref<128x16xf32, #tpu.memory_space<vmem>>, vector<1x16xf32>,
        %get3A_140 = vector.shape_cast %get3A_139 : vector<1x16xf32> to vector<16xf32>
        %add3A_141 = arith.addf %scan3A_132, %get3A_140 : vector<16xf32>
        %mul3A_142 = arith.constant 4 : i32
        %mul3A_143 = arith.muli %mul3A_142, %scan3A_131 : i32
        %add3A_144 = arith.constant 1 : i32
        %add3A_145 = arith.addi %mul3A_143, %add3A_144 : i32
        %get3A_146 = arith.index_cast %add3A_145 : i32 to index
        %get3A_147 = arith.constant 0 : index
        %get3A_148 = tpu.vector_load %arg6[%get3A_146, %get3A_147] {strides = array<i32>} : memref<128x16xf32, #tpu.memory_space<vmem>>, vector<1x16xf32>,
        %get3A_149 = vector.shape_cast %get3A_148 : vector<1x16xf32> to vector<16xf32>
        %add3A_150 = arith.addf %scan3A_133, %get3A_149 : vector<16xf32>
        %mul3A_151 = arith.constant 4 : i32
        %mul3A_152 = arith.muli %mul3A_151, %scan3A_131 : i32
        %add3A_153 = arith.constant 2 : i32
        %add3A_154 = arith.addi %mul3A_152, %add3A_153 : i32
        %get3A_155 = arith.index_cast %add3A_154 : i32 to index
        %get3A_156 = arith.constant 0 : index
        %get3A_157 = tpu.vector_load %arg6[%get3A_155, %get3A_156] {strides = array<i32>} : memref<128x16xf32, #tpu.memory_space<vmem>>, vector<1x16xf32>,
        %get3A_158 = vector.shape_cast %get3A_157 : vector<1x16xf32> to vector<16xf32>
        %add3A_159 = arith.addf %scan3A_134, %get3A_158 : vector<16xf32>
        %mul3A_160 = arith.constant 4 : i32
        %mul3A_161 = arith.muli %mul3A_160, %scan3A_131 : i32
        %add3A_162 = arith.constant 3 : i32
        %add3A_163 = arith.addi %mul3A_161, %add3A_162 : i32
        %get3A_164 = arith.index_cast %add3A_163 : i32 to index
        %get3A_165 = arith.constant 0 : index
        %get3A_166 = tpu.vector_load %arg6[%get3A_164, %get3A_165] {strides = array<i32>} : memref<128x16xf32, #tpu.memory_space<vmem>>, vector<1x16xf32>,
        %get3A_167 = vector.shape_cast %get3A_166 : vector<1x16xf32> to vector<16xf32>
        %add3A_168 = arith.addf %scan3A_135, %get3A_167 : vector<16xf32>
        %scan3A_169 = arith.constant 1 : i32
        %scan3A_170 = arith.addi %scan3A_131, %scan3A_169 : i32
        %mul3A_171 = arith.constant 4 : i32
        %mul3A_172 = arith.muli %mul3A_171, %scan3A_170 : i32
        %get3A_173 = arith.index_cast %mul3A_172 : i32 to index
        %get3A_174 = arith.constant 0 : index
        %get3A_175 = tpu.vector_load %arg6[%get3A_173, %get3A_174] {strides = array<i32>} : memref<128x16xf32, #tpu.memory_space<vmem>>, vector<1x16xf32>,
        %get3A_176 = vector.shape_cast %get3A_175 : vector<1x16xf32> to vector<16xf32>
        %add3A_177 = arith.addf %add3A_141, %get3A_176 : vector<16xf32>
        %mul3A_178 = arith.constant 4 : i32
        %mul3A_179 = arith.muli %mul3A_178, %scan3A_170 : i32
        %add3A_180 = arith.constant 1 : i32
        %add3A_181 = arith.addi %mul3A_179, %add3A_180 : i32
        %get3A_182 = arith.index_cast %add3A_181 : i32 to index
        %get3A_183 = arith.constant 0 : index
        %get3A_184 = tpu.vector_load %arg6[%get3A_182, %get3A_183] {strides = array<i32>} : memref<128x16xf32, #tpu.memory_space<vmem>>, vector<1x16xf32>,
        %get3A_185 = vector.shape_cast %get3A_184 : vector<1x16xf32> to vector<16xf32>
        %add3A_186 = arith.addf %add3A_150, %get3A_185 : vector<16xf32>
        %mul3A_187 = arith.constant 4 : i32
        %mul3A_188 = arith.muli %mul3A_187, %scan3A_170 : i32
        %add3A_189 = arith.constant 2 : i32
        %add3A_190 = arith.addi %mul3A_188, %add3A_189 : i32
        %get3A_191 = arith.index_cast %add3A_190 : i32 to index
        %get3A_192 = arith.constant 0 : index
        %get3A_193 = tpu.vector_load %arg6[%get3A_191, %get3A_192] {strides = array<i32>} : memref<128x16xf32, #tpu.memory_space<vmem>>, vector<1x16xf32>,
        %get3A_194 = vector.shape_cast %get3A_193 : vector<1x16xf32> to vector<16xf32>
        %add3A_195 = arith.addf %add3A_159, %get3A_194 : vector<16xf32>
        %mul3A_196 = arith.constant 4 : i32
        %mul3A_197 = arith.muli %mul3A_196, %scan3A_170 : i32
        %add3A_198 = arith.constant 3 : i32
        %add3A_199 = arith.addi %mul3A_197, %add3A_198 : i32
        %get3A_200 = arith.index_cast %add3A_199 : i32 to index
        %get3A_201 = arith.constant 0 : index
        %get3A_202 = tpu.vector_load %arg6[%get3A_200, %get3A_201] {strides = array<i32>} : memref<128x16xf32, #tpu.memory_space<vmem>>, vector<1x16xf32>,
        %get3A_203 = vector.shape_cast %get3A_202 : vector<1x16xf32> to vector<16xf32>
        %add3A_204 = arith.addf %add3A_168, %get3A_203 : vector<16xf32>
        %scan3A_205 = arith.constant 2 : i32
        %scan3A_206 = arith.addi %scan3A_131, %scan3A_205 : i32
        %mul3A_207 = arith.constant 4 : i32
        %mul3A_208 = arith.muli %mul3A_207, %scan3A_206 : i32
        %get3A_209 = arith.index_cast %mul3A_208 : i32 to index
        %get3A_210 = arith.constant 0 : index
        %get3A_211 = tpu.vector_load %arg6[%get3A_209, %get3A_210] {strides = array<i32>} : memref<128x16xf32, #tpu.memory_space<vmem>>, vector<1x16xf32>,
        %get3A_212 = vector.shape_cast %get3A_211 : vector<1x16xf32> to vector<16xf32>
        %add3A_213 = arith.addf %add3A_177, %get3A_212 : vector<16xf32>
        %mul3A_214 = arith.constant 4 : i32
        %mul3A_215 = arith.muli %mul3A_214, %scan3A_206 : i32
        %add3A_216 = arith.constant 1 : i32
        %add3A_217 = arith.addi %mul3A_215, %add3A_216 : i32
        %get3A_218 = arith.index_cast %add3A_217 : i32 to index
        %get3A_219 = arith.constant 0 : index
        %get3A_220 = tpu.vector_load %arg6[%get3A_218, %get3A_219] {strides = array<i32>} : memref<128x16xf32, #tpu.memory_space<vmem>>, vector<1x16xf32>,
        %get3A_221 = vector.shape_cast %get3A_220 : vector<1x16xf32> to vector<16xf32>
        %add3A_222 = arith.addf %add3A_186, %get3A_221 : vector<16xf32>
        %mul3A_223 = arith.constant 4 : i32
        %mul3A_224 = arith.muli %mul3A_223, %scan3A_206 : i32
        %add3A_225 = arith.constant 2 : i32
        %add3A_226 = arith.addi %mul3A_224, %add3A_225 : i32
        %get3A_227 = arith.index_cast %add3A_226 : i32 to index
        %get3A_228 = arith.constant 0 : index
        %get3A_229 = tpu.vector_load %arg6[%get3A_227, %get3A_228] {strides = array<i32>} : memref<128x16xf32, #tpu.memory_space<vmem>>, vector<1x16xf32>,
        %get3A_230 = vector.shape_cast %get3A_229 : vector<1x16xf32> to vector<16xf32>
        %add3A_231 = arith.addf %add3A_195, %get3A_230 : vector<16xf32>
        %mul3A_232 = arith.constant 4 : i32
        %mul3A_233 = arith.muli %mul3A_232, %scan3A_206 : i32
        %add3A_234 = arith.constant 3 : i32
        %add3A_235 = arith.addi %mul3A_233, %add3A_234 : i32
        %get3A_236 = arith.index_cast %add3A_235 : i32 to index
        %get3A_237 = arith.constant 0 : index
        %get3A_238 = tpu.vector_load %arg6[%get3A_236, %get3A_237] {strides = array<i32>} : memref<128x16xf32, #tpu.memory_space<vmem>>, vector<1x16xf32>,
        %get3A_239 = vector.shape_cast %get3A_238 : vector<1x16xf32> to vector<16xf32>
        %add3A_240 = arith.addf %add3A_204, %get3A_239 : vector<16xf32>
        %scan3A_241 = arith.constant 3 : i32
        %scan3A_242 = arith.addi %scan3A_131, %scan3A_241 : i32
        %mul3A_243 = arith.constant 4 : i32
        %mul3A_244 = arith.muli %mul3A_243, %scan3A_242 : i32
        %get3A_245 = arith.index_cast %mul3A_244 : i32 to index
        %get3A_246 = arith.constant 0 : index
        %get3A_247 = tpu.vector_load %arg6[%get3A_245, %get3A_246] {strides = array<i32>} : memref<128x16xf32, #tpu.memory_space<vmem>>, vector<1x16xf32>,
        %get3A_248 = vector.shape_cast %get3A_247 : vector<1x16xf32> to vector<16xf32>
        %add3A_249 = arith.addf %add3A_213, %get3A_248 : vector<16xf32>
        %mul3A_250 = arith.constant 4 : i32
        %mul3A_251 = arith.muli %mul3A_250, %scan3A_242 : i32
        %add3A_252 = arith.constant 1 : i32
        %add3A_253 = arith.addi %mul3A_251, %add3A_252 : i32
        %get3A_254 = arith.index_cast %add3A_253 : i32 to index
        %get3A_255 = arith.constant 0 : index
        %get3A_256 = tpu.vector_load %arg6[%get3A_254, %get3A_255] {strides = array<i32>} : memref<128x16xf32, #tpu.memory_space<vmem>>, vector<1x16xf32>,
        %get3A_257 = vector.shape_cast %get3A_256 : vector<1x16xf32> to vector<16xf32>
        %add3A_258 = arith.addf %add3A_222, %get3A_257 : vector<16xf32>
        %mul3A_259 = arith.constant 4 : i32
        %mul3A_260 = arith.muli %mul3A_259, %scan3A_242 : i32
        %add3A_261 = arith.constant 2 : i32
        %add3A_262 = arith.addi %mul3A_260, %add3A_261 : i32
        %get3A_263 = arith.index_cast %add3A_262 : i32 to index
        %get3A_264 = arith.constant 0 : index
        %get3A_265 = tpu.vector_load %arg6[%get3A_263, %get3A_264] {strides = array<i32>} : memref<128x16xf32, #tpu.memory_space<vmem>>, vector<1x16xf32>,
        %get3A_266 = vector.shape_cast %get3A_265 : vector<1x16xf32> to vector<16xf32>
        %add3A_267 = arith.addf %add3A_231, %get3A_266 : vector<16xf32>
        %mul3A_268 = arith.constant 4 : i32
        %mul3A_269 = arith.muli %mul3A_268, %scan3A_242 : i32
        %add3A_270 = arith.constant 3 : i32
        %add3A_271 = arith.addi %mul3A_269, %add3A_270 : i32
        %get3A_272 = arith.index_cast %add3A_271 : i32 to index
        %get3A_273 = arith.constant 0 : index
        %get3A_274 = tpu.vector_load %arg6[%get3A_272, %get3A_273] {strides = array<i32>} : memref<128x16xf32, #tpu.memory_space<vmem>>, vector<1x16xf32>,
        %get3A_275 = vector.shape_cast %get3A_274 : vector<1x16xf32> to vector<16xf32>
        %add3A_276 = arith.addf %add3A_240, %get3A_275 : vector<16xf32>
        scf.yield %add3A_249, %add3A_258, %add3A_267, %add3A_276 : vector<16xf32>, vector<16xf32>, vector<16xf32>, vector<16xf32>
      }
      %scan3A_90 = arith.constant 32 : i32
      %add3A_91 = arith.addf %scan3A_89#0, %scan3A_89#1 : vector<16xf32>
      %add3A_92 = arith.addf %scan3A_89#2, %scan3A_89#3 : vector<16xf32>
      %add3A_93 = arith.addf %add3A_91, %add3A_92 : vector<16xf32>
      %add3A_94 = arith.addf %add3A_70, %add3A_93 : vector<16xf32>
      %add3A_95 = arith.constant 1 : i32
      %add3A_96 = arith.addi %scan3A_24, %add3A_95 : i32
      %lt3A = arith.constant 32 : i32
      %lt3A_97 = arith.cmpi slt, %add3A_96, %lt3A : i32
      %convert_element_type3A = arith.extui %lt3A_97 : i1 to i32
      %cond3A = arith.constant 0 : i32
      %cond3A_98 = arith.cmpi ne, %convert_element_type3A, %cond3A : i32
      scf.if %cond3A_98 {
        %add3A_131 = arith.constant 512 : i32
        %add3A_132 = arith.addi %multiple_of3A_28, %add3A_131 : i32
        %add3A_133 = arith.constant 0 : i32
        %add3A_134 = arith.addi %add3A_132, %add3A_133 : i32
        %dma_start3A_135 = tpu.memref_slice %arg5[%add3A_134] : memref<16384xi32, #tpu.memory_space<vmem>> -> memref<128xi32, #tpu.memory_space<vmem>>
        %dma_start3A_136 = arith.constant 0 : i32
        %dma_start3A_137 = arith.constant 0 : i32
        %dma_start3A_138 = tpu.memref_slice %arg9[%dma_start3A_136, %dma_start3A_137] : memref<100096x16xf32, #tpu.memory_space<vmem_shared>> -> memref<100096x16xf32, #tpu.memory_space<vmem_shared>>
        tpu.enqueue_indirect_dma source(%dma_start3A_138 : memref<100096x16xf32, #tpu.memory_space<vmem_shared>>) target(%arg6 : memref<128x16xf32, #tpu.memory_space<vmem>>) offsets(%dma_start3A_135 : memref<128xi32, #tpu.memory_space<vmem>>) semaphore(%arg10 : memref<!tpu.dma_semaphore, #tpu.memory_space<semaphore_mem>>)
      } else {
      }
      %add3A_99 = arith.constant 384 : i32
      %add3A_100 = arith.addi %multiple_of3A_28, %add3A_99 : i32
      %dma_wait3A_101 = tpu.memref_slice %arg5[%add3A_100] : memref<16384xi32, #tpu.memory_space<vmem>> -> memref<128xi32, #tpu.memory_space<vmem>>
      %dma_wait3A_102 = arith.constant 0 : i32
      %dma_wait3A_103 = arith.constant 0 : i32
      %dma_wait3A_104 = tpu.memref_slice %arg9[%dma_wait3A_102, %dma_wait3A_103] : memref<100096x16xf32, #tpu.memory_space<vmem_shared>> -> memref<100096x16xf32, #tpu.memory_space<vmem_shared>>
      tpu.wait_indirect_dma semaphore(%arg11 : memref<!tpu.dma_semaphore, #tpu.memory_space<semaphore_mem>>) src(%dma_wait3A_104 : memref<100096x16xf32, #tpu.memory_space<vmem_shared>>) dst(%arg7 : memref<128x16xf32, #tpu.memory_space<vmem>>)
      %broadcast_in_dim3A_105 = arith.constant 0.000000e+00 : f32
      %broadcast_in_dim3A_106 = vector.broadcast %broadcast_in_dim3A_105 : f32 to vector<16xf32>
      %scan3A_107 = arith.constant 0 : i32
      %scan3A_108 = arith.constant 32 : i32
      %scan3A_109 = arith.addi %scan3A_107, %scan3A_108 : i32
      %scan3A_110 = arith.constant 4 : i32
      %scan3A_111:4 = scf.for %scan3A_131 = %scan3A_107 to %scan3A_109 step %scan3A_110 iter_args(%scan3A_132 = %broadcast_in_dim3A_106, %scan3A_133 = %broadcast_in_dim3A_106, %scan3A_134 = %broadcast_in_dim3A_106, %scan3A_135 = %broadcast_in_dim3A_106) -> (vector<16xf32>, vector<16xf32>, vector<16xf32>, vector<16xf32>)  : i32 {
        %mul3A_136 = arith.constant 4 : i32
        %mul3A_137 = arith.muli %mul3A_136, %scan3A_131 : i32
        %get3A = arith.index_cast %mul3A_137 : i32 to index
        %get3A_138 = arith.constant 0 : index
        %get3A_139 = tpu.vector_load %arg7[%get3A, %get3A_138] {strides = array<i32>} : memref<128x16xf32, #tpu.memory_space<vmem>>, vector<1x16xf32>,
        %get3A_140 = vector.shape_cast %get3A_139 : vector<1x16xf32> to vector<16xf32>
        %add3A_141 = arith.addf %scan3A_132, %get3A_140 : vector<16xf32>
        %mul3A_142 = arith.constant 4 : i32
        %mul3A_143 = arith.muli %mul3A_142, %scan3A_131 : i32
        %add3A_144 = arith.constant 1 : i32
        %add3A_145 = arith.addi %mul3A_143, %add3A_144 : i32
        %get3A_146 = arith.index_cast %add3A_145 : i32 to index
        %get3A_147 = arith.constant 0 : index
        %get3A_148 = tpu.vector_load %arg7[%get3A_146, %get3A_147] {strides = array<i32>} : memref<128x16xf32, #tpu.memory_space<vmem>>, vector<1x16xf32>,
        %get3A_149 = vector.shape_cast %get3A_148 : vector<1x16xf32> to vector<16xf32>
        %add3A_150 = arith.addf %scan3A_133, %get3A_149 : vector<16xf32>
        %mul3A_151 = arith.constant 4 : i32
        %mul3A_152 = arith.muli %mul3A_151, %scan3A_131 : i32
        %add3A_153 = arith.constant 2 : i32
        %add3A_154 = arith.addi %mul3A_152, %add3A_153 : i32
        %get3A_155 = arith.index_cast %add3A_154 : i32 to index
        %get3A_156 = arith.constant 0 : index
        %get3A_157 = tpu.vector_load %arg7[%get3A_155, %get3A_156] {strides = array<i32>} : memref<128x16xf32, #tpu.memory_space<vmem>>, vector<1x16xf32>,
        %get3A_158 = vector.shape_cast %get3A_157 : vector<1x16xf32> to vector<16xf32>
        %add3A_159 = arith.addf %scan3A_134, %get3A_158 : vector<16xf32>
        %mul3A_160 = arith.constant 4 : i32
        %mul3A_161 = arith.muli %mul3A_160, %scan3A_131 : i32
        %add3A_162 = arith.constant 3 : i32
        %add3A_163 = arith.addi %mul3A_161, %add3A_162 : i32
        %get3A_164 = arith.index_cast %add3A_163 : i32 to index
        %get3A_165 = arith.constant 0 : index
        %get3A_166 = tpu.vector_load %arg7[%get3A_164, %get3A_165] {strides = array<i32>} : memref<128x16xf32, #tpu.memory_space<vmem>>, vector<1x16xf32>,
        %get3A_167 = vector.shape_cast %get3A_166 : vector<1x16xf32> to vector<16xf32>
        %add3A_168 = arith.addf %scan3A_135, %get3A_167 : vector<16xf32>
        %scan3A_169 = arith.constant 1 : i32
        %scan3A_170 = arith.addi %scan3A_131, %scan3A_169 : i32
        %mul3A_171 = arith.constant 4 : i32
        %mul3A_172 = arith.muli %mul3A_171, %scan3A_170 : i32
        %get3A_173 = arith.index_cast %mul3A_172 : i32 to index
        %get3A_174 = arith.constant 0 : index
        %get3A_175 = tpu.vector_load %arg7[%get3A_173, %get3A_174] {strides = array<i32>} : memref<128x16xf32, #tpu.memory_space<vmem>>, vector<1x16xf32>,
        %get3A_176 = vector.shape_cast %get3A_175 : vector<1x16xf32> to vector<16xf32>
        %add3A_177 = arith.addf %add3A_141, %get3A_176 : vector<16xf32>
        %mul3A_178 = arith.constant 4 : i32
        %mul3A_179 = arith.muli %mul3A_178, %scan3A_170 : i32
        %add3A_180 = arith.constant 1 : i32
        %add3A_181 = arith.addi %mul3A_179, %add3A_180 : i32
        %get3A_182 = arith.index_cast %add3A_181 : i32 to index
        %get3A_183 = arith.constant 0 : index
        %get3A_184 = tpu.vector_load %arg7[%get3A_182, %get3A_183] {strides = array<i32>} : memref<128x16xf32, #tpu.memory_space<vmem>>, vector<1x16xf32>,
        %get3A_185 = vector.shape_cast %get3A_184 : vector<1x16xf32> to vector<16xf32>
        %add3A_186 = arith.addf %add3A_150, %get3A_185 : vector<16xf32>
        %mul3A_187 = arith.constant 4 : i32
        %mul3A_188 = arith.muli %mul3A_187, %scan3A_170 : i32
        %add3A_189 = arith.constant 2 : i32
        %add3A_190 = arith.addi %mul3A_188, %add3A_189 : i32
        %get3A_191 = arith.index_cast %add3A_190 : i32 to index
        %get3A_192 = arith.constant 0 : index
        %get3A_193 = tpu.vector_load %arg7[%get3A_191, %get3A_192] {strides = array<i32>} : memref<128x16xf32, #tpu.memory_space<vmem>>, vector<1x16xf32>,
        %get3A_194 = vector.shape_cast %get3A_193 : vector<1x16xf32> to vector<16xf32>
        %add3A_195 = arith.addf %add3A_159, %get3A_194 : vector<16xf32>
        %mul3A_196 = arith.constant 4 : i32
        %mul3A_197 = arith.muli %mul3A_196, %scan3A_170 : i32
        %add3A_198 = arith.constant 3 : i32
        %add3A_199 = arith.addi %mul3A_197, %add3A_198 : i32
        %get3A_200 = arith.index_cast %add3A_199 : i32 to index
        %get3A_201 = arith.constant 0 : index
        %get3A_202 = tpu.vector_load %arg7[%get3A_200, %get3A_201] {strides = array<i32>} : memref<128x16xf32, #tpu.memory_space<vmem>>, vector<1x16xf32>,
        %get3A_203 = vector.shape_cast %get3A_202 : vector<1x16xf32> to vector<16xf32>
        %add3A_204 = arith.addf %add3A_168, %get3A_203 : vector<16xf32>
        %scan3A_205 = arith.constant 2 : i32
        %scan3A_206 = arith.addi %scan3A_131, %scan3A_205 : i32
        %mul3A_207 = arith.constant 4 : i32
        %mul3A_208 = arith.muli %mul3A_207, %scan3A_206 : i32
        %get3A_209 = arith.index_cast %mul3A_208 : i32 to index
        %get3A_210 = arith.constant 0 : index
        %get3A_211 = tpu.vector_load %arg7[%get3A_209, %get3A_210] {strides = array<i32>} : memref<128x16xf32, #tpu.memory_space<vmem>>, vector<1x16xf32>,
        %get3A_212 = vector.shape_cast %get3A_211 : vector<1x16xf32> to vector<16xf32>
        %add3A_213 = arith.addf %add3A_177, %get3A_212 : vector<16xf32>
        %mul3A_214 = arith.constant 4 : i32
        %mul3A_215 = arith.muli %mul3A_214, %scan3A_206 : i32
        %add3A_216 = arith.constant 1 : i32
        %add3A_217 = arith.addi %mul3A_215, %add3A_216 : i32
        %get3A_218 = arith.index_cast %add3A_217 : i32 to index
        %get3A_219 = arith.constant 0 : index
        %get3A_220 = tpu.vector_load %arg7[%get3A_218, %get3A_219] {strides = array<i32>} : memref<128x16xf32, #tpu.memory_space<vmem>>, vector<1x16xf32>,
        %get3A_221 = vector.shape_cast %get3A_220 : vector<1x16xf32> to vector<16xf32>
        %add3A_222 = arith.addf %add3A_186, %get3A_221 : vector<16xf32>
        %mul3A_223 = arith.constant 4 : i32
        %mul3A_224 = arith.muli %mul3A_223, %scan3A_206 : i32
        %add3A_225 = arith.constant 2 : i32
        %add3A_226 = arith.addi %mul3A_224, %add3A_225 : i32
        %get3A_227 = arith.index_cast %add3A_226 : i32 to index
        %get3A_228 = arith.constant 0 : index
        %get3A_229 = tpu.vector_load %arg7[%get3A_227, %get3A_228] {strides = array<i32>} : memref<128x16xf32, #tpu.memory_space<vmem>>, vector<1x16xf32>,
        %get3A_230 = vector.shape_cast %get3A_229 : vector<1x16xf32> to vector<16xf32>
        %add3A_231 = arith.addf %add3A_195, %get3A_230 : vector<16xf32>
        %mul3A_232 = arith.constant 4 : i32
        %mul3A_233 = arith.muli %mul3A_232, %scan3A_206 : i32
        %add3A_234 = arith.constant 3 : i32
        %add3A_235 = arith.addi %mul3A_233, %add3A_234 : i32
        %get3A_236 = arith.index_cast %add3A_235 : i32 to index
        %get3A_237 = arith.constant 0 : index
        %get3A_238 = tpu.vector_load %arg7[%get3A_236, %get3A_237] {strides = array<i32>} : memref<128x16xf32, #tpu.memory_space<vmem>>, vector<1x16xf32>,
        %get3A_239 = vector.shape_cast %get3A_238 : vector<1x16xf32> to vector<16xf32>
        %add3A_240 = arith.addf %add3A_204, %get3A_239 : vector<16xf32>
        %scan3A_241 = arith.constant 3 : i32
        %scan3A_242 = arith.addi %scan3A_131, %scan3A_241 : i32
        %mul3A_243 = arith.constant 4 : i32
        %mul3A_244 = arith.muli %mul3A_243, %scan3A_242 : i32
        %get3A_245 = arith.index_cast %mul3A_244 : i32 to index
        %get3A_246 = arith.constant 0 : index
        %get3A_247 = tpu.vector_load %arg7[%get3A_245, %get3A_246] {strides = array<i32>} : memref<128x16xf32, #tpu.memory_space<vmem>>, vector<1x16xf32>,
        %get3A_248 = vector.shape_cast %get3A_247 : vector<1x16xf32> to vector<16xf32>
        %add3A_249 = arith.addf %add3A_213, %get3A_248 : vector<16xf32>
        %mul3A_250 = arith.constant 4 : i32
        %mul3A_251 = arith.muli %mul3A_250, %scan3A_242 : i32
        %add3A_252 = arith.constant 1 : i32
        %add3A_253 = arith.addi %mul3A_251, %add3A_252 : i32
        %get3A_254 = arith.index_cast %add3A_253 : i32 to index
        %get3A_255 = arith.constant 0 : index
        %get3A_256 = tpu.vector_load %arg7[%get3A_254, %get3A_255] {strides = array<i32>} : memref<128x16xf32, #tpu.memory_space<vmem>>, vector<1x16xf32>,
        %get3A_257 = vector.shape_cast %get3A_256 : vector<1x16xf32> to vector<16xf32>
        %add3A_258 = arith.addf %add3A_222, %get3A_257 : vector<16xf32>
        %mul3A_259 = arith.constant 4 : i32
        %mul3A_260 = arith.muli %mul3A_259, %scan3A_242 : i32
        %add3A_261 = arith.constant 2 : i32
        %add3A_262 = arith.addi %mul3A_260, %add3A_261 : i32
        %get3A_263 = arith.index_cast %add3A_262 : i32 to index
        %get3A_264 = arith.constant 0 : index
        %get3A_265 = tpu.vector_load %arg7[%get3A_263, %get3A_264] {strides = array<i32>} : memref<128x16xf32, #tpu.memory_space<vmem>>, vector<1x16xf32>,
        %get3A_266 = vector.shape_cast %get3A_265 : vector<1x16xf32> to vector<16xf32>
        %add3A_267 = arith.addf %add3A_231, %get3A_266 : vector<16xf32>
        %mul3A_268 = arith.constant 4 : i32
        %mul3A_269 = arith.muli %mul3A_268, %scan3A_242 : i32
        %add3A_270 = arith.constant 3 : i32
        %add3A_271 = arith.addi %mul3A_269, %add3A_270 : i32
        %get3A_272 = arith.index_cast %add3A_271 : i32 to index
        %get3A_273 = arith.constant 0 : index
        %get3A_274 = tpu.vector_load %arg7[%get3A_272, %get3A_273] {strides = array<i32>} : memref<128x16xf32, #tpu.memory_space<vmem>>, vector<1x16xf32>,
        %get3A_275 = vector.shape_cast %get3A_274 : vector<1x16xf32> to vector<16xf32>
        %add3A_276 = arith.addf %add3A_240, %get3A_275 : vector<16xf32>
        scf.yield %add3A_249, %add3A_258, %add3A_267, %add3A_276 : vector<16xf32>, vector<16xf32>, vector<16xf32>, vector<16xf32>
      }
      %scan3A_112 = arith.constant 32 : i32
      %add3A_113 = arith.addf %scan3A_111#0, %scan3A_111#1 : vector<16xf32>
      %add3A_114 = arith.addf %scan3A_111#2, %scan3A_111#3 : vector<16xf32>
      %add3A_115 = arith.addf %add3A_113, %add3A_114 : vector<16xf32>
      %add3A_116 = arith.addf %add3A_94, %add3A_115 : vector<16xf32>
      %add3A_117 = arith.constant 1 : i32
      %add3A_118 = arith.addi %scan3A_24, %add3A_117 : i32
      %lt3A_119 = arith.constant 32 : i32
      %lt3A_120 = arith.cmpi slt, %add3A_118, %lt3A_119 : i32
      %convert_element_type3A_121 = arith.extui %lt3A_120 : i1 to i32
      %cond3A_122 = arith.constant 0 : i32
      %cond3A_123 = arith.cmpi ne, %convert_element_type3A_121, %cond3A_122 : i32
      scf.if %cond3A_123 {
        %add3A_131 = arith.constant 512 : i32
        %add3A_132 = arith.addi %multiple_of3A_28, %add3A_131 : i32
        %add3A_133 = arith.constant 128 : i32
        %add3A_134 = arith.addi %add3A_132, %add3A_133 : i32
        %dma_start3A_135 = tpu.memref_slice %arg5[%add3A_134] : memref<16384xi32, #tpu.memory_space<vmem>> -> memref<128xi32, #tpu.memory_space<vmem>>
        %dma_start3A_136 = arith.constant 0 : i32
        %dma_start3A_137 = arith.constant 0 : i32
        %dma_start3A_138 = tpu.memref_slice %arg9[%dma_start3A_136, %dma_start3A_137] : memref<100096x16xf32, #tpu.memory_space<vmem_shared>> -> memref<100096x16xf32, #tpu.memory_space<vmem_shared>>
        tpu.enqueue_indirect_dma source(%dma_start3A_138 : memref<100096x16xf32, #tpu.memory_space<vmem_shared>>) target(%arg7 : memref<128x16xf32, #tpu.memory_space<vmem>>) offsets(%dma_start3A_135 : memref<128xi32, #tpu.memory_space<vmem>>) semaphore(%arg11 : memref<!tpu.dma_semaphore, #tpu.memory_space<semaphore_mem>>)
      } else {
      }
      %mul3A_124 = arith.constant 16 : i32
      %mul3A_125 = arith.muli %scan3A_24, %mul3A_124 : i32
      %multiple_of3A_126 = tpu.assume_multiple %mul3A_125, 16 : i32
      %swap3A = arith.index_cast %multiple_of3A_126 : i32 to index
      %swap3A_127 = tpu.vector_load %arg8[%swap3A] {strides = array<i32>} : memref<512xf32, #tpu.memory_space<vmem>>, vector<16xf32>,
      %swap3A_128 = vector.shape_cast %swap3A_127 : vector<16xf32> to vector<16xf32>
      %swap3A_129 = vector.shape_cast %add3A_116 : vector<16xf32> to vector<16xf32>
      tpu.vector_store %arg8[%swap3A], %swap3A_129 {strides = array<i32>} : memref<512xf32, #tpu.memory_space<vmem>>, vector<16xf32>,
      %scan3A_130 = arith.constant 0 : i32
      scf.yield %scan3A_130 : i32
    }
    %scan3A_21 = arith.constant 32 : i32
    %mul3A_22 = arith.constant 16 : i32
    %mul3A_23 = arith.muli %mul3A_2, %mul3A_22 : i32
    "tpu.region"() ({
      %run_scoped3A = tpu.sem_alloc : memref<!tpu.dma_semaphore, #tpu.memory_space<semaphore_mem>>
      %dma_start3A_24 = tpu.memref_slice %arg4[%mul3A_23] : memref<16384xf32, #tpu.memory_space<hbm>> -> memref<512xf32, #tpu.memory_space<hbm>>
      %dma_start3A_25 = tpu.memref_slice %arg4[%mul3A_23] : memref<16384xf32, #tpu.memory_space<hbm>> -> memref<512xf32, #tpu.memory_space<hbm>>
      tpu.enqueue_dma source(%arg8 : memref<512xf32, #tpu.memory_space<vmem>>) target(%dma_start3A_25 : memref<512xf32, #tpu.memory_space<hbm>>) target_semaphore(%run_scoped3A : memref<!tpu.dma_semaphore, #tpu.memory_space<semaphore_mem>>)
      %dma_wait3A = tpu.memref_slice %arg4[%mul3A_23] : memref<16384xf32, #tpu.memory_space<hbm>> -> memref<512xf32, #tpu.memory_space<hbm>>
      %dma_wait3A_26 = tpu.memref_slice %arg4[%mul3A_23] : memref<16384xf32, #tpu.memory_space<hbm>> -> memref<512xf32, #tpu.memory_space<hbm>>
      tpu.wait_dma2 semaphore(%run_scoped3A : memref<!tpu.dma_semaphore, #tpu.memory_space<semaphore_mem>>) src(%arg8 : memref<512xf32, #tpu.memory_space<vmem>>) dst(%dma_wait3A_26 : memref<512xf32, #tpu.memory_space<hbm>>)
      tpu.yield
    }) : () -> ()
    return
  }
}

module attributes {stable_mosaic.version = 14 : i64} {
  func.func @_proj_body(%arg0: i32, %arg1: memref<3128x768xf32, #tpu.memory_space<vmem>>, %arg2: memref<768x16xf32, #tpu.memory_space<vmem>>, %arg3: memref<3128x16xf32, #tpu.memory_space<vmem>>) attributes {dimension_semantics = [#tpu.dimension_semantics<arbitrary>], iteration_bounds = array<i64: 32>, scalar_prefetch = 0 : i64, scratch_operands = 0 : i64, tpu.core_type = #tpu.core_type<tc>, window_params = [{transform_indices = @transform_0, window_bounds = array<i64: 3128, 768>}, {pipeline_mode = #tpu.pipeline_mode<synchronous>, transform_indices = @transform_1, window_bounds = array<i64: 768, 16>}, {transform_indices = @transform_2, window_bounds = array<i64: 3128, 16>}]} {
    %get3A = arith.constant 0 : index
    %get3A_0 = arith.constant 0 : index
    %get3A_1 = vector.load %arg1[%get3A, %get3A_0] : memref<3128x768xf32, #tpu.memory_space<vmem>>, vector<3128x768xf32>
    %get3A_2 = arith.constant 0 : index
    %get3A_3 = arith.constant 0 : index
    %get3A_4 = vector.load %arg2[%get3A_2, %get3A_3] : memref<768x16xf32, #tpu.memory_space<vmem>>, vector<768x16xf32>
    %dot_general3A = arith.constant dense<0.000000e+00> : vector<3128x16xf32>
    %dot_general3A_5 = tpu.matmul %get3A_1, %get3A_4, %dot_general3A {dimension_numbers = #tpu.dot_dimension_numbers<[1], [0], [0], [1], [0, 0, 1, 1], [], []>, transpose_lhs_hint = false} : vector<3128x768xf32>, vector<768x16xf32>, vector<3128x16xf32> -> vector<3128x16xf32>
    %mul3A = arith.constant 3128 : i32
    %mul3A_6 = arith.muli %arg0, %mul3A : i32
    %iota3A = tpu.iota {dimensions = array<i32: 0>} : vector<3128x1xi32>
    %add3A = vector.broadcast %mul3A_6 : i32 to vector<3128x1xi32>
    %add3A_7 = arith.addi %add3A, %iota3A : vector<3128x1xi32>
    %lt3A = arith.constant 100000 : i32
    %lt3A_8 = vector.broadcast %lt3A : i32 to vector<3128x1xi32>
    %lt3A_9 = arith.cmpi slt, %add3A_7, %lt3A_8 : vector<3128x1xi32>
    %jit3A = arith.constant 0.000000e+00 : f32
    %broadcast_in_dim3A = vector.shape_cast %lt3A_9 : vector<3128x1xi1> to vector<3128x1xi1>
    %broadcast_in_dim3A_10 = vector.broadcast %broadcast_in_dim3A : vector<3128x1xi1> to vector<3128x16xi1>
    %broadcast_in_dim3A_11 = vector.broadcast %jit3A : f32 to vector<3128x16xf32>
    %select_n3A = arith.select %broadcast_in_dim3A_10, %dot_general3A_5, %broadcast_in_dim3A_11 : vector<3128x16xi1>, vector<3128x16xf32>
    %swap3A = arith.constant 0 : index
    %swap3A_12 = arith.constant 0 : index
    %swap3A_13 = vector.load %arg3[%swap3A, %swap3A_12] : memref<3128x16xf32, #tpu.memory_space<vmem>>, vector<3128x16xf32>
    tpu.vector_store %arg3[%swap3A, %swap3A_12], %select_n3A {strides = array<i32>} : memref<3128x16xf32, #tpu.memory_space<vmem>>, vector<3128x16xf32>,
    return
  }
  func.func @transform_0(%arg0: i32) -> (i32, i32) {
    %c0_i32 = arith.constant 0 : i32
    %c0_i32_0 = arith.constant 0 : i32
    return %arg0, %c0_i32 : i32, i32
  }
  func.func @transform_1(%arg0: i32) -> (i32, i32) {
    %c0_i32 = arith.constant 0 : i32
    %c0_i32_0 = arith.constant 0 : i32
    %c0_i32_1 = arith.constant 0 : i32
    return %c0_i32, %c0_i32_0 : i32, i32
  }
  func.func @transform_2(%arg0: i32) -> (i32, i32) {
    %c0_i32 = arith.constant 0 : i32
    %c0_i32_0 = arith.constant 0 : i32
    return %arg0, %c0_i32 : i32, i32
  }
}

module attributes {stable_mosaic.version = 14 : i64} {
  func.func @_head_body(%arg0: memref<1024x16xf32, #tpu.memory_space<vmem>>, %arg1: memref<1x16xf32, #tpu.memory_space<vmem>>, %arg2: memref<1x16xf32, #tpu.memory_space<vmem>>, %arg3: memref<1x1xf32, #tpu.memory_space<vmem>>, %arg4: memref<1024x1xf32, #tpu.memory_space<vmem>>) attributes {dimension_semantics = [], scalar_prefetch = 0 : i64, scratch_operands = 0 : i64, tpu.core_type = #tpu.core_type<tc>} {
    %get3A = arith.constant 0 : index
    %get3A_0 = arith.constant 0 : index
    %get3A_1 = vector.load %arg0[%get3A, %get3A_0] : memref<1024x16xf32, #tpu.memory_space<vmem>>, vector<1024x16xf32>
    %mul3A = arith.constant 2.000000e-03 : f32
    %mul3A_2 = vector.broadcast %mul3A : f32 to vector<1024x16xf32>
    %mul3A_3 = arith.mulf %get3A_1, %mul3A_2 : vector<1024x16xf32>
    %get3A_4 = arith.constant 0 : index
    %get3A_5 = arith.constant 0 : index
    %get3A_6 = vector.load %arg1[%get3A_4, %get3A_5] : memref<1x16xf32, #tpu.memory_space<vmem>>, vector<1x16xf32>
    %add3A = vector.broadcast %get3A_6 : vector<1x16xf32> to vector<1024x16xf32>
    %add3A_7 = arith.addf %mul3A_3, %add3A : vector<1024x16xf32>
    %max3A = arith.constant 0.000000e+00 : f32
    %max3A_8 = vector.broadcast %max3A : f32 to vector<1024x16xf32>
    %max3A_9 = arith.maximumf %add3A_7, %max3A_8 : vector<1024x16xf32>
    %get3A_10 = arith.constant 0 : index
    %get3A_11 = arith.constant 0 : index
    %get3A_12 = vector.load %arg2[%get3A_10, %get3A_11] : memref<1x16xf32, #tpu.memory_space<vmem>>, vector<1x16xf32>
    %mul3A_13 = vector.broadcast %get3A_12 : vector<1x16xf32> to vector<1024x16xf32>
    %mul3A_14 = arith.mulf %max3A_9, %mul3A_13 : vector<1024x16xf32>
    %reduce_sum3A = arith.constant dense<0.000000e+00> : vector<1024xf32>
    %reduce_sum3A_15 = vector.multi_reduction <add>, %mul3A_14, %reduce_sum3A [1] : vector<1024x16xf32> to vector<1024xf32>
    %broadcast_in_dim3A = vector.shape_cast %reduce_sum3A_15 : vector<1024xf32> to vector<1024x1xf32>
    %get3A_16 = arith.constant 0 : index
    %get3A_17 = arith.constant 0 : index
    %get3A_18 = vector.load %arg3[%get3A_16, %get3A_17] : memref<1x1xf32, #tpu.memory_space<vmem>>, vector<1x1xf32>
    %add3A_19 = vector.broadcast %get3A_18 : vector<1x1xf32> to vector<1024x1xf32>
    %add3A_20 = arith.addf %broadcast_in_dim3A, %add3A_19 : vector<1024x1xf32>
    %neg3A = arith.constant 0.000000e+00 : f32
    %neg3A_21 = vector.broadcast %neg3A : f32 to vector<1024x1xf32>
    %neg3A_22 = arith.subf %neg3A_21, %add3A_20 : vector<1024x1xf32>
    %exp3A = math.exp %neg3A_22 : vector<1024x1xf32>
    %add3A_23 = arith.constant 1.000000e+00 : f32
    %add3A_24 = vector.broadcast %add3A_23 : f32 to vector<1024x1xf32>
    %add3A_25 = arith.addf %add3A_24, %exp3A : vector<1024x1xf32>
    %div3A = arith.constant 1.000000e+00 : f32
    %div3A_26 = vector.broadcast %div3A : f32 to vector<1024x1xf32>
    %div3A_27 = arith.divf %div3A_26, %add3A_25 : vector<1024x1xf32>
    %swap3A = arith.constant 0 : index
    %swap3A_28 = arith.constant 0 : index
    %swap3A_29 = vector.load %arg4[%swap3A, %swap3A_28] : memref<1024x1xf32, #tpu.memory_space<vmem>>, vector<1024x1xf32>
    tpu.vector_store %arg4[%swap3A, %swap3A_28], %div3A_27 {strides = array<i32>} : memref<1024x1xf32, #tpu.memory_space<vmem>>, vector<1024x1xf32>,
    return
  }
}

</mosaic_0001>

<sc_bundles>
// kernel: kernel.5.cloned.1.call-start
scs
__scs_entry_jumppad:
0x0: {  	(pc) =	sbr.rel $0x88, $3  }
0x1: {  	(tag) =	ssettag $0x0;
	lr =	simm.s32 $0x1  }
0x2: {  	[smem:$0x3F9B] =	sst lr;
	_ =	strace $0xD0000000  }
0x3: {  	_ = 	snop  }
0x4: {  	_ = 	snop  }
0x5: {  	_ = 	snop  }
0x6: {  	_ = 	snop  }
0x7: {  	_ = 	snop  }
__scs_overlays_trampoline_lowered:
0x8: {  	[smem:$0x3FAA] =	sst s0  }
0x9: {  	[smem:$0x3FAB] =	sst s1  }
0xa: {  	[smem:$0x3FAC] =	sst s2  }
0xb: {  	[smem:$0x3FAD] =	sst s3  }
0xc: {  	[smem:$0x3FAE] =	sst s4  }
0xd: {  	[smem:$0x3FAF] =	sst s5  }
0xe: {  	[smem:$0x3FB0] =	sst s6  }
0xf: {  	[smem:$0x3FB1] =	sst s7  }
0x10: {  	[smem:$0x3FB2] =	sst s8  }
0x11: {  	[smem:$0x3FB3] =	sst s9;
	s0 =	simm.s32 @!p0 $0x0  }
0x12: {  	s1 =	sld [smem:$0x3F99];
	s0 =	simm.s32 @p0 $0x1  }
0x13: {  	[smem:$0x3FB4] =	sst s0;
	s0 =	simm.s32 @!p1 $0x0  }
0x14: {  	s2 =	sld [smem:$0x3F98];
	s0 =	simm.s32 @p1 $0x1  }
0x15: {  	[smem:$0x3FB5] =	sst s0;
	s0 =	simm.s32 @!p2 $0x0  }
0x16: {  	s3 =	sld [smem:$0x3FDB];
	s0 =	simm.s32 @p2 $0x1  }
0x17: {  	s4 =	simm.s32 $0x1BF5;
	[smem:$0x3FB7] =	sst s0  }
0x18: {  	s0 =	sld [smem:$0x3F9A];
	_ =	swait.ge [sflag:s4], $0x0  }
0x19: {  	s7 =	sld [smem:$0x3F9B]  }
0x1a: {  	s8 =	sadd.s32 $0xFFFFE003, lr  }
0x1b: {  	s9 =	sadd.s32 $0xFFFFFEF7, lr;
	s5 =	simm.s32 $0xFFFFFFFF;
	p2 =	slt.u32 s8, $0xFFFFF086  }
0x1c: {  	p1 =	slt.u32 s9, $0xF7A;
	s5 =	simm.s32 @!p2 $0x0  }
0x1d: {  	s5 =	simm.s32 @p1 $0x1;
	p0 =	seq.s32 s7, s2  }
0x1e: {  	s7 =	smul.u32 @!p0 $0xF7A, s2;
	p2 =	seq.s32 @!p0 s5, $0x0  }
0x1f: {  	s9 =	smul.u32 $0xF7A, s1;
	s8 =	simm.s32 @!p0 $0x1BF5;
	p2 =	por !p2, p0  }
0x20: {  	[sflag:s8] =	ssyncset.s32 @!p0 $0xFFFFF086;
	s6 =	sadd.s32 @!p0 s3, s7;
	s7 =	simm.s32 @!p0 $0x108  }
0x21: {  	s3 =	sadd.s32 s3, s9;
	s6 =	sadd.s32 @!p0 $0x88, s6;
	s7 =	simm.s32 @p2 $0x1082  }
0x22: {  	[simem:s7], [sflag:s8] =	dma.local @!p0 [hbm:s6], $0xF7A  }
0x23: {  	s9 =	sor.u32 $0xD0000000, s2;
	s6 =	simm.s32 $0x108;
	_ =	swait.ge @!p0 [sflag:s8], $0x0  }
0x24: {  	s3 =	sadd.s32 $0x88, s3;
	s6 =	simm.s32 @!p1 $0x1082;
	[sflag:s4] =	ssyncset.s32 $0xFFFFF086  }
0x25: {  	[simem:s6], [sflag:s4] =	dma.local [hbm:s3], $0xF7A  }
0x26: {  	[smem:$0x3F9B] =	sst s1;
	(tag) =	ssettag s2;
	_ =	strace s9  }
0x27: {  	s1 =	sld [smem:$0x3FAB]  }
0x28: {  	s2 =	sld [smem:$0x3FAC]  }
0x29: {  	s4 =	sld [smem:$0x3FAE]  }
0x2a: {  	p0 =	seq.s32 s5, $0x0;
	s5 =	sld [smem:$0x3FAF]  }
0x2b: {  	s6 =	sld [smem:$0x3FB0]  }
0x2c: {  	s7 =	sld [smem:$0x3FB1]  }
0x2d: {  	s3 =	simm.s32 $0x108;
	s8 =	sld [smem:$0x3FB2]  }
0x2e: {  	s3 =	simm.s32 @!p0 $0x1082;
	s9 =	sld [smem:$0x3FB3]  }
0x2f: {  	lr =	sadd.s32 s0, s3;
	s0 =	sld [smem:$0x3FAA]  }
0x30: {  	s3 =	sld [smem:$0x3FAD]  }
0x31: {  	[smem:$0x3FB6] =	sst s10  }
0x32: {  	s10 =	sld [smem:$0x3FB4];
	_ =	sdelay $0x3  }
0x33: {  	p0 =	seq.s32 s10, $0x1;
	s10 =	sld [smem:$0x3FB6];
	_ =	sdelay $0x3  }
0x34: {  	[smem:$0x3FB6] =	sst s10  }
0x35: {  	s10 =	sld [smem:$0x3FB5];
	_ =	sdelay $0x3  }
0x36: {  	p1 =	seq.s32 s10, $0x1;
	s10 =	sld [smem:$0x3FB6];
	_ =	sdelay $0x3  }
0x37: {  	[smem:$0x3FB6] =	sst s10  }
0x38: {  	s10 =	sld [smem:$0x3FB7]  }
0x39: {  	_ = 	snop;
	(pc) =	sbr.ind lr, $3  }
0x3a: {  	_ = 	snop  }
0x3b: {  	_ = 	snop  }
0x3c: {  	p2 =	seq.s32 s10, $0x1;
	s10 =	sld [smem:$0x3FB6]  }
0x3d: {  	_ =	shalt  }
0x3e: {  	_ =	shalt  }
0x3f: {  	_ =	shalt  }
0x40: {  	_ =	shalt  }
0x41: {  	_ =	shalt  }
0x42: {  	_ =	shalt  }
0x43: {  	_ =	shalt  }
0x44: {  	_ =	shalt  }
0x45: {  	_ =	shalt  }
0x46: {  	_ =	shalt  }
0x47: {  	_ =	shalt  }
0x48: {  	_ =	shalt  }
0x49: {  	_ =	shalt  }
0x4a: {  	_ =	shalt  }
0x4b: {  	_ =	shalt  }
0x4c: {  	_ =	shalt  }
0x4d: {  	_ =	shalt  }
0x4e: {  	_ =	shalt  }
0x4f: {  	_ =	shalt  }
0x50: {  	_ =	shalt  }
0x51: {  	_ =	shalt  }
0x52: {  	_ =	shalt  }
0x53: {  	_ =	shalt  }
0x54: {  	_ =	shalt  }
0x55: {  	_ =	shalt  }
0x56: {  	_ =	shalt  }
0x57: {  	_ =	shalt  }
0x58: {  	_ =	shalt  }
0x59: {  	_ =	shalt  }
0x5a: {  	_ =	shalt  }
0x5b: {  	_ =	shalt  }
0x5c: {  	_ =	shalt  }
0x5d: {  	_ =	shalt  }
0x5e: {  	_ =	shalt  }
0x5f: {  	_ =	shalt  }
0x60: {  	_ =	shalt  }
0x61: {  	_ =	shalt  }
0x62: {  	_ =	shalt  }
0x63: {  	_ =	shalt  }
0x64: {  	_ =	shalt  }
0x65: {  	_ =	shalt  }
0x66: {  	_ =	shalt  }
0x67: {  	_ =	shalt  }
0x68: {  	_ =	shalt  }
0x69: {  	_ =	shalt  }
0x6a: {  	_ =	shalt  }
0x6b: {  	_ =	shalt  }
0x6c: {  	_ =	shalt  }
0x6d: {  	_ =	shalt  }
0x6e: {  	_ =	shalt  }
0x6f: {  	_ =	shalt  }
0x70: {  	_ =	shalt  }
0x71: {  	_ =	shalt  }
0x72: {  	_ =	shalt  }
0x73: {  	_ =	shalt  }
0x74: {  	_ =	shalt  }
0x75: {  	_ =	shalt  }
0x76: {  	_ =	shalt  }
0x77: {  	_ =	shalt  }
0x78: {  	_ =	shalt  }
0x79: {  	_ =	shalt  }
0x7a: {  	_ =	shalt  }
0x7b: {  	_ =	shalt  }
0x7c: {  	_ =	shalt  }
0x7d: {  	_ =	shalt  }
0x7e: {  	_ =	shalt  }
0x7f: {  	_ =	shalt  }
0x80: {  	_ =	shalt  }
0x81: {  	_ =	shalt  }
0x82: {  	_ =	shalt  }
0x83: {  	_ =	shalt  }
0x84: {  	_ =	shalt  }
0x85: {  	_ =	shalt  }
0x86: {  	_ =	shalt  }
0x87: {  	_ =	shalt  }
.Lfunc_end0:
.L_simem_size_0:
called_computation_lowered:
.L_overlay_start_0:
0x88: {  	s2 =	sld [smem:$0x3FD9]  }
0x89: {  	s3 =	sld [smem:$0x3FFE];
	_ =	sdelay $0x1  }
0x8a: {  	s1 =	srdreg.scid  }
0x8b: {  	s0 =	sand.u32 $0x1, s1  }
0x8c: {  	s16 =	sshll.u32 s0, $0xA;
	s2 =	sadd.s32 s3, s2  }
0x8d: {  	s2 =	sadd.s32 s2, s16  }
0x8e: {  	[smem:$0x3FC2] =	sst s2  }
0x8f: {  	_ = 	snop  }
0x90: {  	(tm) =	ssettm $0x1  }
0x91: {  	s17 =	sld [smem:$0x3FFB];
	_ =	sdelay $0x3  }
0x92: {  	_ =	strace s17  }
0x93: {  	s2 =	sld [smem:$0x3FFC];
	_ =	sdelay $0x3  }
0x94: {  	_ =	strace s2  }
0x95: {  	s2 =	sld [smem:$0x3FFD];
	_ =	sdelay $0x3  }
0x96: {  	_ =	strace s2  }
0x97: {  	_ =	strace $0x8FFFFFFF  }
0x98: {  	s18 =	sld [smem:$0x3FDB];
	_ =	sdelay $0x1  }
0x99: {  	s19 =	simm.s32 $_scs_section_size  }
0x9a: {  	s4 =	simm.s32 $_size__tile_overlayer_lowered;
	s5 =	simm.s32 $_tile_overlayer_lowered  }
0x9b: {  	s22 =	simm.s32 $0x1BFF;
	s21 =	sshll.u32 s5, $0x1;
	s2 =	sadd.s32 s19, s18  }
0x9c: {  	s6 =	simm.s32 $0x0;
	s20 =	sshll.u32 s4, $0x1;
	s4 =	sadd.s32 s21, s2  }
0x9d: {  	[timem:s6], [sflag:s22] =	dma.local [hbm:s4], s20  }
0x9e: {  	_ =	swait.ge [sflag:s22], s20  }
0x9f: {  	s3 =	ssub.s32 $0x0, s20;
	[sflag:s22] =	ssyncset.done $0x0  }
0xa0: {  	[sflag:s22] =	ssyncadd.s32 s3;
	_ =	sdelay $0x1  }
0xa1: {  	s23 =	simm.s32 $0x1B8B  }
0xa2: {  	_ =	swait.ge [sflag:s23], $0x1  }
0xa3: {  	[sflag:s23] =	ssyncset.done $0x0  }
0xa4: {  	s25 =	simm.s32 $0x1B8E;
	s24 =	sld [smem:$0x3FFE];
	[sflag:s23] =	ssyncadd.s32 $0xFFFFFFFF  }
0xa5: {  	s26 =	simm.s32 $execute0_lowered;
	[smem:$0x3FD2] =	sst s25  }
0xa6: {  	s4 =	sshll.u32 s26, $0x1;
	_ =	strace $0x80000046;
	[dreg:$0x1] =	wrdreg $0xFFFFFFFF  }
0xa7: {  	s28 =	simm.s32 $_size_execute0_lowered;
	s2 =	sadd.s32 s2, s4;
	[dreg:$0x0] =	wrdreg $0x0  }
0xa8: {  	s4 =	sshll.u32 s28, $0x1;
	[dreg:$0x2] =	wrdreg s2  }
0xa9: {  	[dreg:$0x3] =	wrdreg s4  }
0xaa: {  	[dreg:$0x4] =	wrdreg $0xC0  }
0xab: {  	_ =	task [dreg:s6], $0x5FFFF  }
0xac: {  	[dreg:$0x1] =	wrdreg $0xFFFFFFFF  }
0xad: {  	[dreg:$0x0] =	wrdreg $0x60  }
0xae: {  	[dreg:$0x2] =	wrdreg s24  }
0xaf: {  	[dreg:$0x3] =	wrdreg $0x52000  }
0xb0: {  	[dreg:$0x4] =	wrdreg $0x9  }
0xb1: {  	_ =	task.clear_ibuf [dreg:s6], $0x5FFFF;
	_ =	strace $0x90000046  }
0xb2: {  	s29 =	simm.s32 $0x9;
	_ =	strace $0x80000048  }
0xb3: {  	_ =	swait.ge [sflag:s29], $0x1  }
0xb4: {  	[sflag:s29] =	ssyncadd.s32 $0xFFFFFFFF  }
0xb5: {  	_ =	strace $0x90000048  }
0xb6: {  	_ =	sfence  }
0xb7: {  	s30 =	sld [smem:$0x0];
	_ =	sdelay $0x2  }
0xb8: {  	s31 =	sshll.u32 s1, $0xD;
	s1 =	sshrl.u32 s1, $0x2  }
0xb9: {  	s3 =	sand.u32 $0x4000, s31;
	s1 =	sadd.s32 s1, s30  }
0xba: {  	s0 =	sor.u32 s3, s0;
	s1 =	sshll.u32 s1, $0x11  }
0xbb: {  	s0 =	sor.u32 s1, s0  }
0xbc: {  	s0 =	sadd.s32 $0x8F2B, s0  }
0xbd: {  	[sflag:s0] =	ssyncadd.remote.s32 $0x1  }
0xbe: {  	_ =	sfence.sel $0xFFFF  }
0xbf: {  	[dreg:$0x0] =	wrdreg $0xFFFFFFFF;
	(pc) =	sbr.abs _section_cstart, $3  }
0xc0: {  	[dreg:$0x1] =	wrdreg $0xFFFFFFFF  }
0xc1: {  	_ =	task.clear_ibuf [dreg:s6], $0x2FFFF;
	_ =	strace $0x9FFFFFFF  }
0xc2: {  	(tm) =	ssettm $0x7FFFFFFF  }
0xc3: {  	_ =	shalt  }
tec
execute0_lowered:
.L_overlay_start_1:
0x0: {  	(tag) =	ssettag $0x1  }
0x1: {  	s4 =	rddreg [dreg:$0x0]  }
0x2: {  	s2 =	rddreg [dreg:$0x1]  }
0x3: {  	s0 =	rddreg [dreg:$0x2]  }
0x4: {  	s5 =	srdreg.scid;
	s1 =	stileid.u32  }
0x5: {  	s3 =	simm.s32 $0x0;
	s13 =	simm.s32 $0x4800;
	s14 =	simm.s32 $0x1  }
0x6: {  	s15 =	simm.s32 $0x2;
	s16 =	simm.s32 $0x5000;
	s17 =	simm.s32 $0x0  }
0x7: {  	s5 =	sand.u32 $0x1, s5;
	s6 =	sshll.u32 s1, $0x1;
	[smem:$0x7FF] =	sst s3  }
0x8: {  	s7 =	smul.u32 $0x18700, s1;
	s31 =	sshll.u32 s1, $0x6;
	s6 =	sor.u32 s5, s6  }
0x9: {  	_ =	strace $0x80000047;
	s5 =	ssub.s32 $0x2, s5;
	s8 =	sshll.u32 s6, $0xB  }
0xa: {  	s9 =	sshrl.u32 s7, $0x3;
	s6 =	sshll.u32 s6, $0x6;
	s10 =	sshrl.u32 s5, $0x1  }
.Ltmp0:
0xb: {  	s12 =	sadd.s32 s7, s2;
	s8 =	sadd.s32 s8, s4;
	(pc) =	sbr.rel .LBB2_1-.Ltmp0, $4  }
0xc: {  	s9 =	sadd.s32 s9, s4;
	s11 =	sadd.s32 s6, s4;
	s10 =	ssub.s32 s5, s10  }
0xd: {  	s5 =	sor.u32 $0x1C03, s31;
	s4 =	sadd.s32 $0x187A00, s9;
	s6 =	sadd.s32 $0xA00, s8  }
0xe: {  	s7 =	sadd.s32 $0x10A00, s11;
	s8 =	smax.u32 s10, $0x1;
	s9 =	sshrl.u32 s12, $0x3  }
0xf: {  	s10 =	simm.s32 $0x3;
	s11 =	simm.s32 $0x80;
	s12 =	simm.s32 $0x4000  }
.LBB2_11:
0x10: {  	[tilespmem:$0x51F0] =	vst v0  }
.LBB2_13:
0x11: {  	s17 =	sadd.s32 $0x1, s17  }
0x12: {  	p0 =	sne.s32 s17, s8  }
.Ltmp1:
0x13: {  	_ = 	snop;
	(pc) =	sbr.rel @!p0 .LBB2_14-.Ltmp1, $4  }
0x14: {  	[hbm4b:s7+s3] =	stream.linear.scatter [tilespmem:s16], [sflag:$0x3], $0x200, $0x38;
	[tilespmem:$0x1D900] =	vst v63  }
0x15: {  	_ =	swait.ge [sflag:s10], $0x200  }
0x16: {  	[sflag:s10] =	ssyncset.done $0x0  }
0x17: {  	[sflag:s10] =	ssyncadd.s32 $0xFFFFFE00  }
.LBB2_1:
0x18: {  	[spmem:s9], [sflag:s5] =	dma.local [hbm:s4], $0x30E0  }
0x19: {  	_ =	swait.ge [sflag:s10], $0x30E0  }
0x1a: {  	[sflag:s10] =	ssyncset.done $0x0  }
0x1b: {  	[sflag:s10] =	ssyncadd.s32 $0xFFFFCF20  }
0x1c: {  	[tilespmem:s3], [sflag:$0x3] =	stream.linear.gather [hbm4b:s6+s3], $0x4000, $0x38;
	[tilespmem:$0x1D900] =	vst v63  }
0x1d: {  	_ =	swait.ge [sflag:s10], $0x4000  }
0x1e: {  	[sflag:s10] =	ssyncset.done $0x0  }
0x1f: {  	[sflag:s10] =	ssyncadd.s32 $0xFFFFC000  }
0x20: {  	[bflag:$0x0] =	sbarrier.arrive $0xFFFF  }
0x21: {  	[tilespmem:s12], [sflag:$0x1] =	stream.indirect.gather [spmem:s2], $0x10, s3, s11, $0xb8;
	[tilespmem:$0x1D900] =	vst v63  }
0x22: {  	s18 =	simm.s32 $0x0  }
0x23: {  	[tilespmem:s13], [sflag:$0x2] =	stream.indirect.gather [spmem:s2], $0x10, s11, s11, $0xb8;
	[tilespmem:$0x1D900] =	vst v63  }
.LBB2_2:
0x24: {  	_ =	swait.ge [sflag:s14], $0x800  }
0x25: {  	[sflag:s14] =	ssyncset.done $0x0  }
0x26: {  	s20 =	simm.s32 $0x4080;
	[sflag:s14] =	ssyncadd.s32 $0xFFFFF800  }
0x27: {  	v0 =	vld [tilespmem:s20+$0x40]  }
0x28: {  	v1 =	vld [tilespmem:s20+$0x50]  }
0x29: {  	v2 =	vld [tilespmem:s20+$0x0]  }
0x2a: {  	v3 =	vld [tilespmem:s20+$0x10]  }
0x2b: {  	v4 =	vld [tilespmem:s20+$0xFFFFFFC0]  }
0x2c: {  	v5 =	vld [tilespmem:s20+$0xFFFFFFD0]  }
0x2d: {  	v7 =	vld [tilespmem:s20+$0xFFFFFF80]  }
0x2e: {  	v8 =	vld [tilespmem:s20+$0xFFFFFF90]  }
0x2f: {  	v9 =	vld [tilespmem:s20+$0xFFFFFFA0]  }
0x30: {  	v12 =	vld [tilespmem:s20+$0xFFFFFFB0]  }
0x31: {  	v11 =	vld [tilespmem:s20+$0xFFFFFFE0]  }
0x32: {  	v13 =	vld [tilespmem:s20+$0xFFFFFFF0]  }
0x33: {  	v15 =	vimm.f32 $0.0e+00;
	v6 =	vld [tilespmem:s20+$0x20]  }
0x34: {  	v10 =	vld [tilespmem:s20+$0x30];
	v7 =	vadd.f32 v7, v15;
	v17 =	vadd.f32 v8, v15  }
0x35: {  	v14 =	vadd.f32 v9, v15;
	v15 =	vadd.f32 v12, v15;
	v8 =	vld [tilespmem:s20+$0x60]  }
0x36: {  	s19 =	simm.s32 $0x0;
	v12 =	vld [tilespmem:s20+$0x70];
	s20 =	simm.s32 $0x4180;
	v16 =	vadd.f32 v4, v7;
	v17 =	vadd.f32 v5, v17  }
.LBB2_3:
0x37: {  	v4 =	vld [tilespmem:s20+$0x40];
	v5 =	vadd.f32 v11, v14;
	v7 =	vadd.f32 v13, v15  }
0x38: {  	v9 =	vld [tilespmem:s20+$0x50];
	v11 =	vadd.f32 v2, v16;
	v13 =	vadd.f32 v3, v17  }
0x39: {  	v2 =	vld [tilespmem:s20+$0x0];
	v5 =	vadd.f32 v6, v5;
	v6 =	vadd.f32 v10, v7  }
0x3a: {  	v3 =	vld [tilespmem:s20+$0x10];
	v7 =	vadd.f32 v0, v11;
	v10 =	vadd.f32 v1, v13  }
0x3b: {  	v16 =	vld [tilespmem:s20+$0xFFFFFFC0];
	v5 =	vadd.f32 v8, v5;
	v8 =	vadd.f32 v12, v6  }
0x3c: {  	v12 =	vld [tilespmem:s20+$0xFFFFFFD0];
	v0 =	vmov v4  }
0x3d: {  	v4 =	vld [tilespmem:s20+$0xFFFFFF80];
	v1 =	vmov v9  }
0x3e: {  	v9 =	vld [tilespmem:s20+$0xFFFFFF90]  }
0x3f: {  	v14 =	vld [tilespmem:s20+$0xFFFFFFA0]  }
0x40: {  	s19 =	sadd.s32 $0x4, s19;
	v15 =	vld [tilespmem:s20+$0xFFFFFFB0]  }
0x41: {  	p0 =	slt.u32 s19, $0x1C;
	v11 =	vld [tilespmem:s20+$0xFFFFFFE0]  }
.Ltmp2:
0x42: {  	v13 =	vld [tilespmem:s20+$0xFFFFFFF0];
	(pc) =	sbr.rel @p0 .LBB2_3-.Ltmp2, $4  }
0x43: {  	v6 =	vld [tilespmem:s20+$0x20]  }
0x44: {  	v4 =	vadd.f32 v4, v7;
	v7 =	vadd.f32 v9, v10;
	v10 =	vld [tilespmem:s20+$0x30]  }
0x45: {  	v14 =	vadd.f32 v14, v5;
	v15 =	vadd.f32 v15, v8;
	v8 =	vld [tilespmem:s20+$0x60]  }
0x46: {  	v16 =	vadd.f32 v16, v4;
	v17 =	vadd.f32 v12, v7;
	v12 =	vld [tilespmem:s20+$0x70];
	s20 =	sadd.s32 $0x100, s20  }
0x47: {  	s19 =	sshll.u32 s18, $0x9  }
0x48: {  	s19 =	sand.u32 $0x3FFFFE00, s19  }
0x49: {  	s20 =	sor.u32 $0x100, s19  }
0x4a: {  	[tilespmem:s12], [sflag:$0x1] =	stream.indirect.gather [spmem:s2], $0x10, s20, s11, $0xb8;
	[tilespmem:$0x1D900] =	vst v63  }
0x4b: {  	_ =	swait.ge [sflag:s15], $0x800  }
0x4c: {  	[sflag:s15] =	ssyncset.done $0x0  }
0x4d: {  	s21 =	simm.s32 $0x4880;
	[sflag:s15] =	ssyncadd.s32 $0xFFFFF800  }
0x4e: {  	v4 =	vld [tilespmem:s21+$0x40]  }
0x4f: {  	v5 =	vld [tilespmem:s21+$0x50]  }
0x50: {  	v7 =	vld [tilespmem:s21+$0x0]  }
0x51: {  	v9 =	vld [tilespmem:s21+$0x10]  }
0x52: {  	v20 =	vld [tilespmem:s21+$0xFFFFFFC0]  }
0x53: {  	v21 =	vld [tilespmem:s21+$0xFFFFFFD0]  }
0x54: {  	v18 =	vld [tilespmem:s21+$0xFFFFFF80]  }
0x55: {  	v19 =	vld [tilespmem:s21+$0xFFFFFF90]  }
0x56: {  	v11 =	vadd.f32 v11, v14;
	v13 =	vadd.f32 v13, v15;
	v22 =	vld [tilespmem:s21+$0xFFFFFFA0]  }
0x57: {  	v2 =	vadd.f32 v2, v16;
	v3 =	vadd.f32 v3, v17;
	v17 =	vld [tilespmem:s21+$0xFFFFFFB0]  }
0x58: {  	v6 =	vadd.f32 v6, v11;
	v10 =	vadd.f32 v10, v13;
	v14 =	vld [tilespmem:s21+$0xFFFFFFE0]  }
0x59: {  	v0 =	vadd.f32 v0, v2;
	v1 =	vadd.f32 v1, v3;
	v16 =	vld [tilespmem:s21+$0xFFFFFFF0]  }
0x5a: {  	v2 =	vadd.f32 v8, v6;
	v3 =	vadd.f32 v12, v10;
	v6 =	vimm.f32 $0.0e+00;
	v11 =	vld [tilespmem:s21+$0x20]  }
0x5b: {  	v15 =	vld [tilespmem:s21+$0x30];
	v8 =	vadd.f32 v18, v6;
	v10 =	vadd.f32 v19, v6  }
0x5c: {  	v13 =	vld [tilespmem:s21+$0x60];
	v18 =	vadd.f32 v22, v6;
	v19 =	vadd.f32 v17, v6  }
0x5d: {  	s20 =	simm.s32 $0x0;
	v17 =	vld [tilespmem:s21+$0x70];
	s21 =	simm.s32 $0x4980;
	v20 =	vadd.f32 v20, v8;
	v21 =	vadd.f32 v21, v10  }
.LBB2_5:
0x5e: {  	v6 =	vld [tilespmem:s21+$0x40];
	v8 =	vadd.f32 v14, v18;
	v10 =	vadd.f32 v16, v19  }
0x5f: {  	v12 =	vld [tilespmem:s21+$0x50];
	v14 =	vadd.f32 v7, v20;
	v16 =	vadd.f32 v9, v21  }
0x60: {  	v7 =	vld [tilespmem:s21+$0x0];
	v8 =	vadd.f32 v11, v8;
	v10 =	vadd.f32 v15, v10  }
0x61: {  	v9 =	vld [tilespmem:s21+$0x10];
	v15 =	vadd.f32 v4, v14;
	v18 =	vadd.f32 v5, v16  }
0x62: {  	v20 =	vld [tilespmem:s21+$0xFFFFFFC0];
	v8 =	vadd.f32 v13, v8;
	v10 =	vadd.f32 v17, v10  }
0x63: {  	v17 =	vld [tilespmem:s21+$0xFFFFFFD0];
	v4 =	vmov v6  }
0x64: {  	v6 =	vld [tilespmem:s21+$0xFFFFFF80];
	v5 =	vmov v12  }
0x65: {  	v12 =	vld [tilespmem:s21+$0xFFFFFF90]  }
0x66: {  	v13 =	vld [tilespmem:s21+$0xFFFFFFA0]  }
0x67: {  	s20 =	sadd.s32 $0x4, s20;
	v19 =	vld [tilespmem:s21+$0xFFFFFFB0]  }
0x68: {  	p0 =	slt.u32 s20, $0x1C;
	v14 =	vld [tilespmem:s21+$0xFFFFFFE0]  }
.Ltmp3:
0x69: {  	v16 =	vld [tilespmem:s21+$0xFFFFFFF0];
	(pc) =	sbr.rel @p0 .LBB2_5-.Ltmp3, $4  }
0x6a: {  	v11 =	vld [tilespmem:s21+$0x20]  }
0x6b: {  	v6 =	vadd.f32 v6, v15;
	v12 =	vadd.f32 v12, v18;
	v15 =	vld [tilespmem:s21+$0x30]  }
0x6c: {  	v18 =	vadd.f32 v13, v8;
	v19 =	vadd.f32 v19, v10;
	v13 =	vld [tilespmem:s21+$0x60]  }
0x6d: {  	v20 =	vadd.f32 v20, v6;
	v21 =	vadd.f32 v17, v12;
	v17 =	vld [tilespmem:s21+$0x70];
	s21 =	sadd.s32 $0x100, s21  }
0x6e: {  	s20 =	sadd.s32 $0x180, s19  }
0x6f: {  	[tilespmem:s13], [sflag:$0x2] =	stream.indirect.gather [spmem:s2], $0x10, s20, s11, $0xb8;
	[tilespmem:$0x1D900] =	vst v63  }
0x70: {  	_ =	swait.ge [sflag:s14], $0x800  }
0x71: {  	[sflag:s14] =	ssyncset.done $0x0  }
0x72: {  	s21 =	simm.s32 $0x4080;
	[sflag:s14] =	ssyncadd.s32 $0xFFFFF800  }
0x73: {  	v6 =	vld [tilespmem:s21+$0x40]  }
0x74: {  	v8 =	vld [tilespmem:s21+$0x50]  }
0x75: {  	v10 =	vld [tilespmem:s21+$0x0]  }
0x76: {  	v12 =	vld [tilespmem:s21+$0x10]  }
0x77: {  	v22 =	vld [tilespmem:s21+$0xFFFFFFC0]  }
0x78: {  	v23 =	vld [tilespmem:s21+$0xFFFFFFD0]  }
0x79: {  	v24 =	vld [tilespmem:s21+$0xFFFFFF80]  }
0x7a: {  	v25 =	vld [tilespmem:s21+$0xFFFFFF90]  }
0x7b: {  	v14 =	vadd.f32 v14, v18;
	v16 =	vadd.f32 v16, v19;
	v19 =	vld [tilespmem:s21+$0xFFFFFFA0]  }
0x7c: {  	v7 =	vadd.f32 v7, v20;
	v9 =	vadd.f32 v9, v21;
	v21 =	vld [tilespmem:s21+$0xFFFFFFB0]  }
0x7d: {  	v11 =	vadd.f32 v11, v14;
	v14 =	vadd.f32 v15, v16;
	v18 =	vld [tilespmem:s21+$0xFFFFFFE0]  }
0x7e: {  	v7 =	vadd.f32 v4, v7;
	v5 =	vadd.f32 v5, v9;
	v4 =	vld [tilespmem:s21+$0xFFFFFFF0]  }
0x7f: {  	v9 =	vadd.f32 v13, v11;
	v11 =	vadd.f32 v17, v14;
	v13 =	vimm.f32 $0.0e+00;
	v15 =	vld [tilespmem:s21+$0x20]  }
0x80: {  	v16 =	vld [tilespmem:s21+$0x30];
	v14 =	vadd.f32 v24, v13;
	v63 =	vadd.f32 v25, v13  }
0x81: {  	v20 =	vadd.f32 v19, v13;
	v17 =	vadd.f32 v21, v13;
	v13 =	vld [tilespmem:s21+$0x60]  }
0x82: {  	s20 =	simm.s32 $0x0;
	v21 =	vadd.f32 v22, v14;
	v19 =	vadd.f32 v23, v63;
	v14 =	vld [tilespmem:s21+$0x70];
	s21 =	simm.s32 $0x4180  }
.LBB2_7:
0x83: {  	v22 =	vld [tilespmem:s21+$0x40];
	v18 =	vadd.f32 v18, v20;
	v4 =	vadd.f32 v4, v17  }
0x84: {  	v17 =	vld [tilespmem:s21+$0x50];
	v20 =	vadd.f32 v10, v21;
	v19 =	vadd.f32 v12, v19  }
0x85: {  	v10 =	vld [tilespmem:s21+$0x0];
	v15 =	vadd.f32 v15, v18;
	v4 =	vadd.f32 v16, v4  }
0x86: {  	v12 =	vld [tilespmem:s21+$0x10];
	v16 =	vadd.f32 v6, v20;
	v19 =	vadd.f32 v8, v19  }
0x87: {  	v21 =	vld [tilespmem:s21+$0xFFFFFFC0];
	v13 =	vadd.f32 v13, v15;
	v14 =	vadd.f32 v14, v4  }
0x88: {  	v23 =	vld [tilespmem:s21+$0xFFFFFFD0];
	v6 =	vmov v22  }
0x89: {  	v20 =	vld [tilespmem:s21+$0xFFFFFF80];
	v8 =	vmov v17  }
0x8a: {  	v17 =	vld [tilespmem:s21+$0xFFFFFF90]  }
0x8b: {  	v22 =	vld [tilespmem:s21+$0xFFFFFFA0]  }
0x8c: {  	s20 =	sadd.s32 $0x4, s20;
	v24 =	vld [tilespmem:s21+$0xFFFFFFB0]  }
0x8d: {  	p0 =	slt.u32 s20, $0x1C;
	v18 =	vld [tilespmem:s21+$0xFFFFFFE0]  }
.Ltmp4:
0x8e: {  	v4 =	vld [tilespmem:s21+$0xFFFFFFF0];
	(pc) =	sbr.rel @p0 .LBB2_7-.Ltmp4, $4  }
0x8f: {  	v15 =	vld [tilespmem:s21+$0x20]  }
0x90: {  	v25 =	vadd.f32 v20, v16;
	v19 =	vadd.f32 v17, v19;
	v16 =	vld [tilespmem:s21+$0x30]  }
0x91: {  	v20 =	vadd.f32 v22, v13;
	v17 =	vadd.f32 v24, v14;
	v13 =	vld [tilespmem:s21+$0x60]  }
0x92: {  	v21 =	vadd.f32 v21, v25;
	v19 =	vadd.f32 v23, v19;
	v14 =	vld [tilespmem:s21+$0x70];
	s21 =	sadd.s32 $0x100, s21  }
0x93: {  	p0 =	seq.s32 s18, $0x1F  }
0x94: {  	s20 =	sadd.s32 @!p0 $0x200, s19;
	s21 =	simm.s32 @!p0 $0x80;
	s22 =	simm.s32 @!p0 $0x4000  }
0x95: {  	[tilespmem:s22], [sflag:$0x1] =	stream.indirect.gather @!p0 [spmem:s2], $0x10, s20, s21, $0xb8;
	[tilespmem:$0x1D900] =	vst v63  }
0x96: {  	_ =	swait.ge [sflag:s15], $0x800  }
0x97: {  	[sflag:s15] =	ssyncset.done $0x0  }
0x98: {  	v18 =	vadd.f32 v18, v20;
	s31 =	simm.s32 $0x4880;
	[sflag:s15] =	ssyncadd.s32 $0xFFFFF800  }
0x99: {  	v17 =	vadd.f32 v4, v17;
	v61 =	vadd.f32 v1, v0;
	v4 =	vld [tilespmem:s31+$0x40]  }
0x9a: {  	v2 =	vadd.f32 v3, v2;
	v60 =	vadd.f32 v10, v21;
	v10 =	vld [tilespmem:s31+$0x50]  }
0x9b: {  	v5 =	vadd.f32 v5, v7;
	v7 =	vadd.f32 v11, v9;
	v0 =	vld [tilespmem:s31+$0x0]  }
0x9c: {  	v12 =	vadd.f32 v12, v19;
	v15 =	vadd.f32 v15, v18;
	v1 =	vld [tilespmem:s31+$0x10]  }
0x9d: {  	v3 =	vadd.f32 v16, v17;
	v2 =	vadd.f32 v2, v61;
	v62 =	vld [tilespmem:s31+$0xFFFFFFC0]  }
0x9e: {  	v6 =	vadd.f32 v6, v60;
	v8 =	vadd.f32 v8, v12;
	v9 =	vld [tilespmem:s31+$0xFFFFFFD0]  }
0x9f: {  	v11 =	vadd.f32 v13, v15;
	v3 =	vadd.f32 v14, v3;
	v12 =	vld [tilespmem:s31+$0xFFFFFF80]  }
0xa0: {  	v5 =	vadd.f32 v7, v5;
	v2 =	vadd.f32 $0.0e+00, v2;
	v13 =	vld [tilespmem:s31+$0xFFFFFF90]  }
0xa1: {  	v6 =	vadd.f32 v8, v6;
	v3 =	vadd.f32 v3, v11;
	v11 =	vld [tilespmem:s31+$0xFFFFFFA0]  }
0xa2: {  	v14 =	vld [tilespmem:s31+$0xFFFFFFB0]  }
0xa3: {  	v2 =	vadd.f32 v5, v2;
	v7 =	vld [tilespmem:s31+$0xFFFFFFF0];
	v3 =	vadd.f32 v3, v6  }
0xa4: {  	v6 =	vld [tilespmem:s31+$0xFFFFFFE0]  }
0xa5: {  	v5 =	vimm.f32 $0.0e+00;
	v8 =	vld [tilespmem:s31+$0x30];
	v2 =	vadd.f32 v3, v2  }
0xa6: {  	v3 =	vld [tilespmem:s31+$0x20];
	v15 =	vadd.f32 v12, v5;
	v63 =	vadd.f32 v13, v5  }
0xa7: {  	v11 =	vadd.f32 v11, v5;
	v12 =	vadd.f32 v14, v5;
	v5 =	vld [tilespmem:s31+$0x60]  }
0xa8: {  	s20 =	sadd.s32 $0x1, s18;
	s21 =	simm.s32 $0x0;
	s22 =	simm.s32 $0x4980;
	v13 =	vadd.f32 v62, v15;
	v14 =	vadd.f32 v9, v63;
	v9 =	vld [tilespmem:s31+$0x70]  }
.LBB2_9:
0xa9: {  	v15 =	vld [tilespmem:s22+$0x40];
	v6 =	vadd.f32 v6, v11;
	v7 =	vadd.f32 v7, v12  }
0xaa: {  	v11 =	vld [tilespmem:s22+$0x50];
	v12 =	vadd.f32 v0, v13;
	v13 =	vadd.f32 v1, v14  }
0xab: {  	v0 =	vld [tilespmem:s22+$0x0];
	v3 =	vadd.f32 v3, v6;
	v6 =	vadd.f32 v8, v7  }
0xac: {  	v1 =	vld [tilespmem:s22+$0x10];
	v8 =	vadd.f32 v4, v12;
	v12 =	vadd.f32 v10, v13  }
0xad: {  	v13 =	vld [tilespmem:s22+$0xFFFFFFC0];
	v5 =	vadd.f32 v5, v3;
	v9 =	vadd.f32 v9, v6  }
0xae: {  	v14 =	vld [tilespmem:s22+$0xFFFFFFD0];
	v4 =	vmov v15  }
0xaf: {  	v15 =	vld [tilespmem:s22+$0xFFFFFF80];
	v10 =	vmov v11  }
0xb0: {  	v11 =	vld [tilespmem:s22+$0xFFFFFF90]  }
0xb1: {  	v16 =	vld [tilespmem:s22+$0xFFFFFFA0]  }
0xb2: {  	s21 =	sadd.s32 $0x4, s21;
	v17 =	vld [tilespmem:s22+$0xFFFFFFB0]  }
0xb3: {  	p0 =	slt.u32 s21, $0x1C;
	v6 =	vld [tilespmem:s22+$0xFFFFFFE0]  }
.Ltmp5:
0xb4: {  	v7 =	vld [tilespmem:s22+$0xFFFFFFF0];
	(pc) =	sbr.rel @p0 .LBB2_9-.Ltmp5, $4  }
0xb5: {  	v3 =	vld [tilespmem:s22+$0x20]  }
0xb6: {  	v15 =	vadd.f32 v15, v8;
	v18 =	vadd.f32 v11, v12;
	v8 =	vld [tilespmem:s22+$0x30]  }
0xb7: {  	v11 =	vadd.f32 v16, v5;
	v12 =	vadd.f32 v17, v9;
	v5 =	vld [tilespmem:s22+$0x60]  }
0xb8: {  	v13 =	vadd.f32 v13, v15;
	v14 =	vadd.f32 v14, v18;
	v9 =	vld [tilespmem:s22+$0x70];
	s22 =	sadd.s32 $0x100, s22  }
0xb9: {  	v6 =	vadd.f32 v6, v11;
	v7 =	vadd.f32 v7, v12  }
0xba: {  	v0 =	vadd.f32 v0, v13;
	v1 =	vadd.f32 v1, v14  }
0xbb: {  	v3 =	vadd.f32 v3, v6;
	v62 =	vadd.f32 v8, v7  }
0xbc: {  	v0 =	vadd.f32 v4, v0;
	v1 =	vadd.f32 v10, v1  }
0xbd: {  	v3 =	vadd.f32 v5, v3;
	v63 =	vadd.f32 v9, v62;
	_ =	sdelay $0x1  }
0xbe: {  	p0 =	sne.s32 s18, $0x1F;
	v0 =	vadd.f32 v1, v0;
	v1 =	vadd.f32 v63, v3  }
.Ltmp6:
0xbf: {  	_ = 	snop;
	(pc) =	sbr.rel @!p0 .LBB2_11-.Ltmp6, $2  }
0xc0: {  	v0 =	vadd.f32 v1, v0;
	_ =	sdelay $0x1  }
0xc1: {  	v0 =	vadd.f32 v0, v2;
	_ =	sdelay $0x1  }
0xc2: {  	p0 =	sne.s32 s20, $0x20  }
.Ltmp7:
0xc3: {  	_ = 	snop;
	(pc) =	sbr.rel @p0 .LBB2_2-.Ltmp7, $4  }
.Ltmp8:
0xc4: {  	s19 =	sadd.s32 $0x280, s19;
	s18 =	sshll.u32 s18, $0x4;
	(pc) =	sbr.rel @!p0 .LBB2_13-.Ltmp8, $4  }
0xc5: {  	[tilespmem:s13], [sflag:$0x2] =	stream.indirect.gather [spmem:s2], $0x10, s19, s11, $0xb8;
	[tilespmem:$0x1D900] =	vst v63  }
0xc6: {  	s18 =	sand.u32 $0x3FFFFFF0, s18  }
0xc7: {  	[tilespmem:s18+$0x5000] =	vst v0;
	s18 =	smov.u32 s20  }
0xc8: {  	_ = 	snop  }
.LBB2_14:
0xc9: {  	_ =	sfence.sel $0x180000  }
0xca: {  	[bflag:$0x0] =	sbarrier.arrive $0xFFFF  }
0xcb: {  	p0 =	sne.s32 s1, $0x0;
	_ =	strace $0x90000047  }
0xcc: {  	s0 =	sadd.s32 @!p0 $0x100000, s0;
	[bflag:$0x2] =	sbarrier.arrive $0xFFFF  }
0xcd: {  	[sflag:s0] =	ssyncadd.tile.s32 @!p0 $0x1;
	_ =	shalt  }
.Lfunc_end2:
_tile_overlayer_lowered:
.L_overlay_start_2:
0xce: {  	(tag) =	ssettag $0x2  }
0xcf: {  	s0 =	rddreg [dreg:$0x0];
	s2 =	stileid.u32  }
0xd0: {  	s1 =	rddreg [dreg:$0x1];
	p0 =	sne.s32 s2, $0x0  }
0xd1: {  	s3 =	rddreg [dreg:$0x2];
	[bflag:$0x3] =	sbarrier.arrive $0xFFFF;
	s2 =	simm.s32 @!p0 $0x1C03  }
0xd2: {  	[timem:s3], [sflag:s2] =	dma.local @!p0 [hbm:s0], s1  }
0xd3: {  	s0 =	simm.s32 @!p0 $0x3  }
0xd4: {  	_ =	swait.ge @!p0 [sflag:s0], s1  }
0xd5: {  	s1 =	ssub.s32 @!p0 $0x0, s1;
	[sflag:s0] =	ssyncset.done @!p0 $0x0  }
0xd6: {  	[sflag:s0] =	ssyncadd.s32 @!p0 s1  }
0xd7: {  	[bflag:$0x3] =	sbarrier.arrive $0xFFFF  }
0xd8: {  	_ =	shalt  }

</sc_bundles>
